<compile_context>
chip_gen: v7x
topology: tpu7x:2x2x1
jax: 0.10.2.dev20260603
libtpu: 0.0.44.dev20260713+nightly
codegen_flags: <defaults>
</compile_context>

<pallas_src>
import functools

import jax
import jax.numpy as jnp
from jax import lax
from jax.experimental import pallas as pl
from jax.experimental.pallas import tpu as pltpu
from jax.experimental.pallas import tpu_sc as plsc

N_NODES = 10000
N_EDGES = 320000
IN_FEAT = 128
OUT2 = 128

D_AUG = 144
N_TAB = N_NODES + 16
ACC_ROWS = 10240
ROWS_PER_TILE = ACC_ROWS // 16
BATCH = 128

NC, NS = 2, 16
NW = NC * NS
BATCHES_PER_SUBCORE = 158
NB0, NB1 = 103, 55
E_PAD = NS * BATCHES_PER_SUBCORE * BATCH


def _sc_scatter(h_aug, src2d, dst2d, zinit):
    mesh = plsc.VectorSubcoreMesh(core_axis_name="c", subcore_axis_name="s")

    @functools.partial(
        pl.kernel,
        mesh=mesh,
        out_type=jax.ShapeDtypeStruct((NC, ACC_ROWS, D_AUG), jnp.float32),
        scratch_types=[
            pltpu.VMEM((BATCH,), jnp.int32),
            pltpu.VMEM((BATCH,), jnp.int32),
            pltpu.VMEM((2, BATCH), jnp.int32),
            pltpu.VMEM((2, BATCH, D_AUG), jnp.float32),
            pltpu.VMEM_SHARED((ACC_ROWS, D_AUG), jnp.float32),
            pltpu.SemaphoreType.DMA,
            [pltpu.SemaphoreType.DMA] * 2,
        ],
        compiler_params=pltpu.CompilerParams(use_tc_tiling_on_sc=False),
    )
    def k(tab_hbm, src_hbm, dst_hbm, z_hbm, out_hbm, idx_s0, idx_s1, idx_d,
          rows, acc, gsem, ssem):
        c = lax.axis_index("c")
        s = lax.axis_index("s")
        base = s * BATCHES_PER_SUBCORE + c * NB0
        nb = jnp.where(c == 0, NB0, NB1)
        idx_s = (idx_s0, idx_s1)

        pltpu.sync_copy(z_hbm, acc.at[pl.ds(s * ROWS_PER_TILE, ROWS_PER_TILE)])
        plsc.subcore_barrier()

        def load_gather(j, b):
            pltpu.sync_copy(src_hbm.at[base + j], idx_s[b])
            pltpu.sync_copy(dst_hbm.at[base + j], idx_d.at[b])
            pltpu.async_copy(tab_hbm.at[idx_s[b]], rows.at[b], gsem).wait()

        def scatter_start(b):
            pltpu.async_copy(rows.at[b], acc.at[idx_d.at[b]], ssem[b],
                             add=True)

        def scatter_wait(b):
            pltpu.make_async_copy(tab_hbm.at[pl.ds(0, BATCH)], rows.at[b],
                                  ssem[b]).wait()

        for b in range(2):
            load_gather(b, b)
            scatter_start(b)

        def body(g, carry):
            for b in range(2):
                j = 2 * g + b
                scatter_wait(b)
                load_gather(j, b)
                scatter_start(b)
            return carry

        lax.fori_loop(1, (nb - 1) // 2, body, 0)

        scatter_wait(0)
        load_gather(nb - 1, 0)
        scatter_start(0)
        scatter_wait(0)
        scatter_wait(1)
        plsc.subcore_barrier()

        pltpu.sync_copy(
            acc.at[pl.ds(s * ROWS_PER_TILE, ROWS_PER_TILE)],
            out_hbm.at[c, pl.ds(s * ROWS_PER_TILE, ROWS_PER_TILE)],
        )

    return k(h_aug, src2d, dst2d, zinit)


def _tc_finish_body(p0_ref, p1_ref, h_ref, w_ref, o_ref):
    p = p0_ref[...] + p1_ref[...]
    ssum = p[:, :IN_FEAT]
    deg = p[:, IN_FEAT:IN_FEAT + 1]
    r = jnp.maximum(deg, 1.0)
    agg = jnp.dot(ssum / r, w_ref[...], preferred_element_type=jnp.float32)
    o_ref[...] = jnp.maximum(agg, 0.0) + h_ref[...]


def _tc_finish(p0, p1, h, W):
    blk = 1000
    grid = (N_NODES // blk,)
    return pl.pallas_call(
        _tc_finish_body,
        grid=grid,
        in_specs=[
            pl.BlockSpec((blk, D_AUG), lambda i: (i, 0)),
            pl.BlockSpec((blk, D_AUG), lambda i: (i, 0)),
            pl.BlockSpec((blk, IN_FEAT), lambda i: (i, 0)),
            pl.BlockSpec((IN_FEAT, OUT2), lambda i: (0, 0)),
        ],
        out_specs=pl.BlockSpec((blk, OUT2), lambda i: (i, 0)),
        out_shape=jax.ShapeDtypeStruct((N_NODES, OUT2), jnp.float32),
    )(p0, p1, h, W)


@jax.jit
def kernel(h, edge_index, W):
    ei = edge_index.astype(jnp.int32)
    src = ei[0]
    dst = ei[1]
    pad = E_PAD - N_EDGES
    src_p = jnp.concatenate([src, jnp.full((pad,), N_NODES, jnp.int32)])
    dst_p = jnp.concatenate([dst, jnp.zeros((pad,), jnp.int32)])
    src2d = src_p.reshape(-1, BATCH)
    dst2d = dst_p.reshape(-1, BATCH)

    h_aug = jnp.zeros((N_TAB, D_AUG), jnp.float32)
    h_aug = h_aug.at[:N_NODES, :IN_FEAT].set(h)
    h_aug = h_aug.at[:N_NODES, IN_FEAT].set(1.0)

    zinit = jnp.zeros((ROWS_PER_TILE, D_AUG), jnp.float32)

    partials = _sc_scatter(h_aug, src2d, dst2d, zinit)
    return _tc_finish(partials[0], partials[1], h, W)

# --- scband reference (transcript-rebuilt; emitter-appended) ---
"""Pipeline reference for scband-res-gnn-layer-42700564857462 (READ-ONLY COPY).

The authoritative reference and input builder live on the scoring server;
editing this copy changes nothing except your own understanding.
"""

import jax, jax.numpy as jnp
import numpy as np

N_NODES = 10000
N_EDGES = 320000
IN_FEAT = 128
OUT_FEAT = 64

def setup_inputs(seed: int = 0) -> dict:
    key = jax.random.key(seed)
    k1, k2, k3 = jax.random.split(key, 3)
    h = jax.random.normal(k1, (N_NODES, IN_FEAT), dtype=jnp.float32)
    edge_index = jax.random.randint(k2, (2, N_EDGES), 0, N_NODES, dtype=jnp.int32).astype(jnp.int64)
    # GNN_layer learned weight: in_feat -> 2*out_feat (so output dim == in_feat, enabling identity residual)
    W = jax.random.normal(k3, (IN_FEAT, 2 * OUT_FEAT), dtype=jnp.float32) * 0.05
    return {"h": h, "edge_index": edge_index, "W": W}

def reference(h, edge_index, W):
    # GNN_layer: transform node features, gather messages along src, mean-aggregate at dst, relu.
    N = h.shape[0]
    E = edge_index.shape[1]
    src = edge_index[0]
    dst = edge_index[1]
    hw = h @ W                               # [N, 2*out_feat]
    msg = jnp.take(hw, src, axis=0)          # gather: [E, 2*out_feat]
    agg = jax.ops.segment_sum(msg, dst, num_segments=N)  # scatter-add
    deg = jax.ops.segment_sum(jnp.ones((E,), dtype=h.dtype), dst, num_segments=N)
    agg = agg / jnp.clip(deg, 1.0, None)[:, None]        # mean aggregation
    out = jax.nn.relu(agg)
    # ResGNN_layer with identity=True: residual add
    return out + h

if __name__ == "__main__":
    import jax
    _d = setup_inputs()
    print(jax.jit(kernel)(*tuple(_d.values())))

</pallas_src>

<mosaic_0001>
#map = affine_map<(d0, d1) -> (0, 0)>
#map1 = affine_map<(d0, d1) -> (0, 0, 0)>
module attributes {stable_mosaic.version = 14 : i64} {
  func.func @k(%arg0: i32, %arg1: i32, %arg2: memref<10016x144xf32, #tpu.memory_space<hbm>>, %arg3: memref<2528x128xi32, #tpu.memory_space<hbm>>, %arg4: memref<2528x128xi32, #tpu.memory_space<hbm>>, %arg5: memref<640x144xf32, #tpu.memory_space<hbm>>, %arg6: memref<2x10240x144xf32, #tpu.memory_space<hbm>>, %arg7: memref<128xi32, #tpu.memory_space<vmem>>, %arg8: memref<128xi32, #tpu.memory_space<vmem>>, %arg9: memref<2x128xi32, #tpu.memory_space<vmem>>, %arg10: memref<2x128x144xf32, #tpu.memory_space<vmem>>, %arg11: memref<10240x144xf32, #tpu.memory_space<vmem_shared>>, %arg12: memref<!tpu.dma_semaphore, #tpu.memory_space<semaphore_mem>>, %arg13: memref<!tpu.dma_semaphore, #tpu.memory_space<semaphore_mem>>, %arg14: memref<!tpu.dma_semaphore, #tpu.memory_space<semaphore_mem>>) attributes {dimension_semantics = [#tpu.dimension_semantics<core_parallel>, #tpu.dimension_semantics<subcore_parallel>], iteration_bounds = array<i64: 2, 16>, scalar_prefetch = 0 : i64, scratch_operands = 8 : i64, tpu.core_type = #tpu.core_type<sc_vector_subcore>, window_params = [{transform_indices = #map}, {transform_indices = #map}, {transform_indices = #map}, {transform_indices = #map}, {transform_indices = #map1}]} {
    %mul3A = arith.constant 158 : i32
    %mul3A_0 = arith.muli %arg1, %mul3A : i32
    %mul3A_1 = arith.constant 103 : i32
    %mul3A_2 = arith.muli %arg0, %mul3A_1 : i32
    %add3A = arith.addi %mul3A_0, %mul3A_2 : i32
    %eq3A = arith.constant 0 : i32
    %eq3A_3 = arith.cmpi eq, %arg0, %eq3A : i32
    %jit3A = arith.constant 103 : i32
    %jit3A_4 = arith.constant 55 : i32
    %select_n3A = arith.select %eq3A_3, %jit3A, %jit3A_4 : i32
    %mul3A_5 = arith.constant 640 : i32
    %mul3A_6 = arith.muli %arg1, %mul3A_5 : i32
    "tpu.region"() ({
      %run_scoped3A_182 = tpu.sem_alloc : memref<!tpu.dma_semaphore, #tpu.memory_space<semaphore_mem>>
      %dma_start3A_183 = arith.constant 0 : i32
      %dma_start3A_184 = tpu.memref_slice %arg11[%mul3A_6, %dma_start3A_183] : memref<10240x144xf32, #tpu.memory_space<vmem_shared>> -> memref<640x144xf32, #tpu.memory_space<vmem_shared>>
      tpu.enqueue_dma source(%arg5 : memref<640x144xf32, #tpu.memory_space<hbm>>) target(%dma_start3A_184 : memref<640x144xf32, #tpu.memory_space<vmem_shared>>) target_semaphore(%run_scoped3A_182 : memref<!tpu.dma_semaphore, #tpu.memory_space<semaphore_mem>>)
      %dma_wait3A_185 = arith.constant 0 : i32
      %dma_wait3A_186 = tpu.memref_slice %arg11[%mul3A_6, %dma_wait3A_185] : memref<10240x144xf32, #tpu.memory_space<vmem_shared>> -> memref<640x144xf32, #tpu.memory_space<vmem_shared>>
      tpu.wait_dma2 semaphore(%run_scoped3A_182 : memref<!tpu.dma_semaphore, #tpu.memory_space<semaphore_mem>>) src(%arg5 : memref<640x144xf32, #tpu.memory_space<hbm>>) dst(%dma_wait3A_186 : memref<640x144xf32, #tpu.memory_space<vmem_shared>>)
      tpu.yield
    }) : () -> ()
    %barrier3A = arith.constant 0 : index
    tpu.barrier barrier_id(%barrier3A)
    %add3A_7 = arith.constant 0 : i32
    %add3A_8 = arith.addi %add3A, %add3A_7 : i32
    "tpu.region"() ({
      %run_scoped3A_182 = tpu.sem_alloc : memref<!tpu.dma_semaphore, #tpu.memory_space<semaphore_mem>>
      %dma_start3A_183 = arith.constant 0 : i32
      %dma_start3A_184 = tpu.memref_slice %arg3[%add3A_8, %dma_start3A_183] : memref<2528x128xi32, #tpu.memory_space<hbm>> -> memref<1x128xi32, #tpu.memory_space<hbm>>
      %dma_start3A_185 = tpu.memref_squeeze %dma_start3A_184 : memref<1x128xi32, #tpu.memory_space<hbm>> -> memref<128xi32, #tpu.memory_space<hbm>>
      %dma_start3A_186 = arith.constant 0 : i32
      %dma_start3A_187 = tpu.memref_slice %arg3[%add3A_8, %dma_start3A_186] : memref<2528x128xi32, #tpu.memory_space<hbm>> -> memref<1x128xi32, #tpu.memory_space<hbm>>
      %dma_start3A_188 = tpu.memref_squeeze %dma_start3A_187 : memref<1x128xi32, #tpu.memory_space<hbm>> -> memref<128xi32, #tpu.memory_space<hbm>>
      tpu.enqueue_dma source(%dma_start3A_188 : memref<128xi32, #tpu.memory_space<hbm>>) target(%arg7 : memref<128xi32, #tpu.memory_space<vmem>>) target_semaphore(%run_scoped3A_182 : memref<!tpu.dma_semaphore, #tpu.memory_space<semaphore_mem>>)
      %dma_wait3A_189 = arith.constant 0 : i32
      %dma_wait3A_190 = tpu.memref_slice %arg3[%add3A_8, %dma_wait3A_189] : memref<2528x128xi32, #tpu.memory_space<hbm>> -> memref<1x128xi32, #tpu.memory_space<hbm>>
      %dma_wait3A_191 = tpu.memref_squeeze %dma_wait3A_190 : memref<1x128xi32, #tpu.memory_space<hbm>> -> memref<128xi32, #tpu.memory_space<hbm>>
      %dma_wait3A_192 = arith.constant 0 : i32
      %dma_wait3A_193 = tpu.memref_slice %arg3[%add3A_8, %dma_wait3A_192] : memref<2528x128xi32, #tpu.memory_space<hbm>> -> memref<1x128xi32, #tpu.memory_space<hbm>>
      %dma_wait3A_194 = tpu.memref_squeeze %dma_wait3A_193 : memref<1x128xi32, #tpu.memory_space<hbm>> -> memref<128xi32, #tpu.memory_space<hbm>>
      tpu.wait_dma2 semaphore(%run_scoped3A_182 : memref<!tpu.dma_semaphore, #tpu.memory_space<semaphore_mem>>) src(%dma_wait3A_194 : memref<128xi32, #tpu.memory_space<hbm>>) dst(%arg7 : memref<128xi32, #tpu.memory_space<vmem>>)
      tpu.yield
    }) : () -> ()
    %add3A_9 = arith.constant 0 : i32
    %add3A_10 = arith.addi %add3A, %add3A_9 : i32
    %run_scoped3A = arith.constant 0 : i32
    "tpu.region"() ({
      %run_scoped3A_182 = tpu.sem_alloc : memref<!tpu.dma_semaphore, #tpu.memory_space<semaphore_mem>>
      %dma_start3A_183 = arith.constant 0 : i32
      %dma_start3A_184 = tpu.memref_slice %arg9[%run_scoped3A, %dma_start3A_183] : memref<2x128xi32, #tpu.memory_space<vmem>> -> memref<1x128xi32, #tpu.memory_space<vmem>>
      %dma_start3A_185 = tpu.memref_squeeze %dma_start3A_184 : memref<1x128xi32, #tpu.memory_space<vmem>> -> memref<128xi32, #tpu.memory_space<vmem>>
      %dma_start3A_186 = arith.constant 0 : i32
      %dma_start3A_187 = tpu.memref_slice %arg4[%add3A_10, %dma_start3A_186] : memref<2528x128xi32, #tpu.memory_space<hbm>> -> memref<1x128xi32, #tpu.memory_space<hbm>>
      %dma_start3A_188 = tpu.memref_squeeze %dma_start3A_187 : memref<1x128xi32, #tpu.memory_space<hbm>> -> memref<128xi32, #tpu.memory_space<hbm>>
      %dma_start3A_189 = arith.constant 0 : i32
      %dma_start3A_190 = tpu.memref_slice %arg9[%run_scoped3A, %dma_start3A_189] : memref<2x128xi32, #tpu.memory_space<vmem>> -> memref<1x128xi32, #tpu.memory_space<vmem>>
      %dma_start3A_191 = tpu.memref_squeeze %dma_start3A_190 : memref<1x128xi32, #tpu.memory_space<vmem>> -> memref<128xi32, #tpu.memory_space<vmem>>
      %dma_start3A_192 = arith.constant 0 : i32
      %dma_start3A_193 = tpu.memref_slice %arg4[%add3A_10, %dma_start3A_192] : memref<2528x128xi32, #tpu.memory_space<hbm>> -> memref<1x128xi32, #tpu.memory_space<hbm>>
      %dma_start3A_194 = tpu.memref_squeeze %dma_start3A_193 : memref<1x128xi32, #tpu.memory_space<hbm>> -> memref<128xi32, #tpu.memory_space<hbm>>
      tpu.enqueue_dma source(%dma_start3A_194 : memref<128xi32, #tpu.memory_space<hbm>>) target(%dma_start3A_191 : memref<128xi32, #tpu.memory_space<vmem>>) target_semaphore(%run_scoped3A_182 : memref<!tpu.dma_semaphore, #tpu.memory_space<semaphore_mem>>)
      %dma_wait3A_195 = arith.constant 0 : i32
      %dma_wait3A_196 = tpu.memref_slice %arg9[%run_scoped3A, %dma_wait3A_195] : memref<2x128xi32, #tpu.memory_space<vmem>> -> memref<1x128xi32, #tpu.memory_space<vmem>>
      %dma_wait3A_197 = tpu.memref_squeeze %dma_wait3A_196 : memref<1x128xi32, #tpu.memory_space<vmem>> -> memref<128xi32, #tpu.memory_space<vmem>>
      %dma_wait3A_198 = arith.constant 0 : i32
      %dma_wait3A_199 = tpu.memref_slice %arg4[%add3A_10, %dma_wait3A_198] : memref<2528x128xi32, #tpu.memory_space<hbm>> -> memref<1x128xi32, #tpu.memory_space<hbm>>
      %dma_wait3A_200 = tpu.memref_squeeze %dma_wait3A_199 : memref<1x128xi32, #tpu.memory_space<hbm>> -> memref<128xi32, #tpu.memory_space<hbm>>
      %dma_wait3A_201 = arith.constant 0 : i32
      %dma_wait3A_202 = tpu.memref_slice %arg9[%run_scoped3A, %dma_wait3A_201] : memref<2x128xi32, #tpu.memory_space<vmem>> -> memref<1x128xi32, #tpu.memory_space<vmem>>
      %dma_wait3A_203 = tpu.memref_squeeze %dma_wait3A_202 : memref<1x128xi32, #tpu.memory_space<vmem>> -> memref<128xi32, #tpu.memory_space<vmem>>
      %dma_wait3A_204 = arith.constant 0 : i32
      %dma_wait3A_205 = tpu.memref_slice %arg4[%add3A_10, %dma_wait3A_204] : memref<2528x128xi32, #tpu.memory_space<hbm>> -> memref<1x128xi32, #tpu.memory_space<hbm>>
      %dma_wait3A_206 = tpu.memref_squeeze %dma_wait3A_205 : memref<1x128xi32, #tpu.memory_space<hbm>> -> memref<128xi32, #tpu.memory_space<hbm>>
      tpu.wait_dma2 semaphore(%run_scoped3A_182 : memref<!tpu.dma_semaphore, #tpu.memory_space<semaphore_mem>>) src(%dma_wait3A_206 : memref<128xi32, #tpu.memory_space<hbm>>) dst(%dma_wait3A_203 : memref<128xi32, #tpu.memory_space<vmem>>)
      tpu.yield
    }) : () -> ()
    %dma_start3A = arith.constant 0 : i32
    %dma_start3A_11 = arith.constant 0 : i32
    %dma_start3A_12 = arith.constant 0 : i32
    %dma_start3A_13 = tpu.memref_slice %arg10[%dma_start3A, %dma_start3A_11, %dma_start3A_12] : memref<2x128x144xf32, #tpu.memory_space<vmem>> -> memref<1x128x144xf32, #tpu.memory_space<vmem>>
    %dma_start3A_14 = tpu.memref_squeeze %dma_start3A_13 : memref<1x128x144xf32, #tpu.memory_space<vmem>> -> memref<128x144xf32, #tpu.memory_space<vmem>>
    %dma_start3A_15 = arith.constant 0 : i32
    %dma_start3A_16 = arith.constant 0 : i32
    %dma_start3A_17 = tpu.memref_slice %arg2[%dma_start3A_15, %dma_start3A_16] : memref<10016x144xf32, #tpu.memory_space<hbm>> -> memref<10016x144xf32, #tpu.memory_space<hbm>>
    tpu.enqueue_indirect_dma source(%dma_start3A_17 : memref<10016x144xf32, #tpu.memory_space<hbm>>) target(%dma_start3A_14 : memref<128x144xf32, #tpu.memory_space<vmem>>) offsets(%arg7 : memref<128xi32, #tpu.memory_space<vmem>>) semaphore(%arg12 : memref<!tpu.dma_semaphore, #tpu.memory_space<semaphore_mem>>)
    %dma_wait3A = arith.constant 0 : i32
    %dma_wait3A_18 = arith.constant 0 : i32
    %dma_wait3A_19 = arith.constant 0 : i32
    %dma_wait3A_20 = tpu.memref_slice %arg10[%dma_wait3A, %dma_wait3A_18, %dma_wait3A_19] : memref<2x128x144xf32, #tpu.memory_space<vmem>> -> memref<1x128x144xf32, #tpu.memory_space<vmem>>
    %dma_wait3A_21 = tpu.memref_squeeze %dma_wait3A_20 : memref<1x128x144xf32, #tpu.memory_space<vmem>> -> memref<128x144xf32, #tpu.memory_space<vmem>>
    %dma_wait3A_22 = arith.constant 0 : i32
    %dma_wait3A_23 = arith.constant 0 : i32
    %dma_wait3A_24 = tpu.memref_slice %arg2[%dma_wait3A_22, %dma_wait3A_23] : memref<10016x144xf32, #tpu.memory_space<hbm>> -> memref<10016x144xf32, #tpu.memory_space<hbm>>
    tpu.wait_indirect_dma semaphore(%arg12 : memref<!tpu.dma_semaphore, #tpu.memory_space<semaphore_mem>>) src(%dma_wait3A_24 : memref<10016x144xf32, #tpu.memory_space<hbm>>) dst(%dma_wait3A_21 : memref<128x144xf32, #tpu.memory_space<vmem>>)
    %dma_start3A_25 = arith.constant 0 : i32
    %dma_start3A_26 = arith.constant 0 : i32
    %dma_start3A_27 = arith.constant 0 : i32
    %dma_start3A_28 = arith.constant 0 : i32
    %dma_start3A_29 = tpu.memref_slice %arg10[%dma_start3A_25, %dma_start3A_27, %dma_start3A_28] : memref<2x128x144xf32, #tpu.memory_space<vmem>> -> memref<1x128x144xf32, #tpu.memory_space<vmem>>
    %dma_start3A_30 = tpu.memref_squeeze %dma_start3A_29 : memref<1x128x144xf32, #tpu.memory_space<vmem>> -> memref<128x144xf32, #tpu.memory_space<vmem>>
    %dma_start3A_31 = arith.constant 0 : i32
    %dma_start3A_32 = tpu.memref_slice %arg9[%dma_start3A_26, %dma_start3A_31] : memref<2x128xi32, #tpu.memory_space<vmem>> -> memref<1x128xi32, #tpu.memory_space<vmem>>
    %dma_start3A_33 = tpu.memref_squeeze %dma_start3A_32 : memref<1x128xi32, #tpu.memory_space<vmem>> -> memref<128xi32, #tpu.memory_space<vmem>>
    %dma_start3A_34 = arith.constant 0 : i32
    %dma_start3A_35 = arith.constant 0 : i32
    %dma_start3A_36 = tpu.memref_slice %arg11[%dma_start3A_34, %dma_start3A_35] : memref<10240x144xf32, #tpu.memory_space<vmem_shared>> -> memref<10240x144xf32, #tpu.memory_space<vmem_shared>>
    tpu.enqueue_indirect_dma source(%dma_start3A_30 : memref<128x144xf32, #tpu.memory_space<vmem>>) target(%dma_start3A_36 : memref<10240x144xf32, #tpu.memory_space<vmem_shared>>) offsets(%dma_start3A_33 : memref<128xi32, #tpu.memory_space<vmem>>) semaphore(%arg13 : memref<!tpu.dma_semaphore, #tpu.memory_space<semaphore_mem>>) {add = true}
    %add3A_37 = arith.constant 1 : i32
    %add3A_38 = arith.addi %add3A, %add3A_37 : i32
    "tpu.region"() ({
      %run_scoped3A_182 = tpu.sem_alloc : memref<!tpu.dma_semaphore, #tpu.memory_space<semaphore_mem>>
      %dma_start3A_183 = arith.constant 0 : i32
      %dma_start3A_184 = tpu.memref_slice %arg3[%add3A_38, %dma_start3A_183] : memref<2528x128xi32, #tpu.memory_space<hbm>> -> memref<1x128xi32, #tpu.memory_space<hbm>>
      %dma_start3A_185 = tpu.memref_squeeze %dma_start3A_184 : memref<1x128xi32, #tpu.memory_space<hbm>> -> memref<128xi32, #tpu.memory_space<hbm>>
      %dma_start3A_186 = arith.constant 0 : i32
      %dma_start3A_187 = tpu.memref_slice %arg3[%add3A_38, %dma_start3A_186] : memref<2528x128xi32, #tpu.memory_space<hbm>> -> memref<1x128xi32, #tpu.memory_space<hbm>>
      %dma_start3A_188 = tpu.memref_squeeze %dma_start3A_187 : memref<1x128xi32, #tpu.memory_space<hbm>> -> memref<128xi32, #tpu.memory_space<hbm>>
      tpu.enqueue_dma source(%dma_start3A_188 : memref<128xi32, #tpu.memory_space<hbm>>) target(%arg8 : memref<128xi32, #tpu.memory_space<vmem>>) target_semaphore(%run_scoped3A_182 : memref<!tpu.dma_semaphore, #tpu.memory_space<semaphore_mem>>)
      %dma_wait3A_189 = arith.constant 0 : i32
      %dma_wait3A_190 = tpu.memref_slice %arg3[%add3A_38, %dma_wait3A_189] : memref<2528x128xi32, #tpu.memory_space<hbm>> -> memref<1x128xi32, #tpu.memory_space<hbm>>
      %dma_wait3A_191 = tpu.memref_squeeze %dma_wait3A_190 : memref<1x128xi32, #tpu.memory_space<hbm>> -> memref<128xi32, #tpu.memory_space<hbm>>
      %dma_wait3A_192 = arith.constant 0 : i32
      %dma_wait3A_193 = tpu.memref_slice %arg3[%add3A_38, %dma_wait3A_192] : memref<2528x128xi32, #tpu.memory_space<hbm>> -> memref<1x128xi32, #tpu.memory_space<hbm>>
      %dma_wait3A_194 = tpu.memref_squeeze %dma_wait3A_193 : memref<1x128xi32, #tpu.memory_space<hbm>> -> memref<128xi32, #tpu.memory_space<hbm>>
      tpu.wait_dma2 semaphore(%run_scoped3A_182 : memref<!tpu.dma_semaphore, #tpu.memory_space<semaphore_mem>>) src(%dma_wait3A_194 : memref<128xi32, #tpu.memory_space<hbm>>) dst(%arg8 : memref<128xi32, #tpu.memory_space<vmem>>)
      tpu.yield
    }) : () -> ()
    %add3A_39 = arith.constant 1 : i32
    %add3A_40 = arith.addi %add3A, %add3A_39 : i32
    %run_scoped3A_41 = arith.constant 1 : i32
    "tpu.region"() ({
      %run_scoped3A_182 = tpu.sem_alloc : memref<!tpu.dma_semaphore, #tpu.memory_space<semaphore_mem>>
      %dma_start3A_183 = arith.constant 0 : i32
      %dma_start3A_184 = tpu.memref_slice %arg9[%run_scoped3A_41, %dma_start3A_183] : memref<2x128xi32, #tpu.memory_space<vmem>> -> memref<1x128xi32, #tpu.memory_space<vmem>>
      %dma_start3A_185 = tpu.memref_squeeze %dma_start3A_184 : memref<1x128xi32, #tpu.memory_space<vmem>> -> memref<128xi32, #tpu.memory_space<vmem>>
      %dma_start3A_186 = arith.constant 0 : i32
      %dma_start3A_187 = tpu.memref_slice %arg4[%add3A_40, %dma_start3A_186] : memref<2528x128xi32, #tpu.memory_space<hbm>> -> memref<1x128xi32, #tpu.memory_space<hbm>>
      %dma_start3A_188 = tpu.memref_squeeze %dma_start3A_187 : memref<1x128xi32, #tpu.memory_space<hbm>> -> memref<128xi32, #tpu.memory_space<hbm>>
      %dma_start3A_189 = arith.constant 0 : i32
      %dma_start3A_190 = tpu.memref_slice %arg9[%run_scoped3A_41, %dma_start3A_189] : memref<2x128xi32, #tpu.memory_space<vmem>> -> memref<1x128xi32, #tpu.memory_space<vmem>>
      %dma_start3A_191 = tpu.memref_squeeze %dma_start3A_190 : memref<1x128xi32, #tpu.memory_space<vmem>> -> memref<128xi32, #tpu.memory_space<vmem>>
      %dma_start3A_192 = arith.constant 0 : i32
      %dma_start3A_193 = tpu.memref_slice %arg4[%add3A_40, %dma_start3A_192] : memref<2528x128xi32, #tpu.memory_space<hbm>> -> memref<1x128xi32, #tpu.memory_space<hbm>>
      %dma_start3A_194 = tpu.memref_squeeze %dma_start3A_193 : memref<1x128xi32, #tpu.memory_space<hbm>> -> memref<128xi32, #tpu.memory_space<hbm>>
      tpu.enqueue_dma source(%dma_start3A_194 : memref<128xi32, #tpu.memory_space<hbm>>) target(%dma_start3A_191 : memref<128xi32, #tpu.memory_space<vmem>>) target_semaphore(%run_scoped3A_182 : memref<!tpu.dma_semaphore, #tpu.memory_space<semaphore_mem>>)
      %dma_wait3A_195 = arith.constant 0 : i32
      %dma_wait3A_196 = tpu.memref_slice %arg9[%run_scoped3A_41, %dma_wait3A_195] : memref<2x128xi32, #tpu.memory_space<vmem>> -> memref<1x128xi32, #tpu.memory_space<vmem>>
      %dma_wait3A_197 = tpu.memref_squeeze %dma_wait3A_196 : memref<1x128xi32, #tpu.memory_space<vmem>> -> memref<128xi32, #tpu.memory_space<vmem>>
      %dma_wait3A_198 = arith.constant 0 : i32
      %dma_wait3A_199 = tpu.memref_slice %arg4[%add3A_40, %dma_wait3A_198] : memref<2528x128xi32, #tpu.memory_space<hbm>> -> memref<1x128xi32, #tpu.memory_space<hbm>>
      %dma_wait3A_200 = tpu.memref_squeeze %dma_wait3A_199 : memref<1x128xi32, #tpu.memory_space<hbm>> -> memref<128xi32, #tpu.memory_space<hbm>>
      %dma_wait3A_201 = arith.constant 0 : i32
      %dma_wait3A_202 = tpu.memref_slice %arg9[%run_scoped3A_41, %dma_wait3A_201] : memref<2x128xi32, #tpu.memory_space<vmem>> -> memref<1x128xi32, #tpu.memory_space<vmem>>
      %dma_wait3A_203 = tpu.memref_squeeze %dma_wait3A_202 : memref<1x128xi32, #tpu.memory_space<vmem>> -> memref<128xi32, #tpu.memory_space<vmem>>
      %dma_wait3A_204 = arith.constant 0 : i32
      %dma_wait3A_205 = tpu.memref_slice %arg4[%add3A_40, %dma_wait3A_204] : memref<2528x128xi32, #tpu.memory_space<hbm>> -> memref<1x128xi32, #tpu.memory_space<hbm>>
      %dma_wait3A_206 = tpu.memref_squeeze %dma_wait3A_205 : memref<1x128xi32, #tpu.memory_space<hbm>> -> memref<128xi32, #tpu.memory_space<hbm>>
      tpu.wait_dma2 semaphore(%run_scoped3A_182 : memref<!tpu.dma_semaphore, #tpu.memory_space<semaphore_mem>>) src(%dma_wait3A_206 : memref<128xi32, #tpu.memory_space<hbm>>) dst(%dma_wait3A_203 : memref<128xi32, #tpu.memory_space<vmem>>)
      tpu.yield
    }) : () -> ()
    %dma_start3A_42 = arith.constant 1 : i32
    %dma_start3A_43 = arith.constant 0 : i32
    %dma_start3A_44 = arith.constant 0 : i32
    %dma_start3A_45 = tpu.memref_slice %arg10[%dma_start3A_42, %dma_start3A_43, %dma_start3A_44] : memref<2x128x144xf32, #tpu.memory_space<vmem>> -> memref<1x128x144xf32, #tpu.memory_space<vmem>>
    %dma_start3A_46 = tpu.memref_squeeze %dma_start3A_45 : memref<1x128x144xf32, #tpu.memory_space<vmem>> -> memref<128x144xf32, #tpu.memory_space<vmem>>
    %dma_start3A_47 = arith.constant 0 : i32
    %dma_start3A_48 = arith.constant 0 : i32
    %dma_start3A_49 = tpu.memref_slice %arg2[%dma_start3A_47, %dma_start3A_48] : memref<10016x144xf32, #tpu.memory_space<hbm>> -> memref<10016x144xf32, #tpu.memory_space<hbm>>
    tpu.enqueue_indirect_dma source(%dma_start3A_49 : memref<10016x144xf32, #tpu.memory_space<hbm>>) target(%dma_start3A_46 : memref<128x144xf32, #tpu.memory_space<vmem>>) offsets(%arg8 : memref<128xi32, #tpu.memory_space<vmem>>) semaphore(%arg12 : memref<!tpu.dma_semaphore, #tpu.memory_space<semaphore_mem>>)
    %dma_wait3A_50 = arith.constant 1 : i32
    %dma_wait3A_51 = arith.constant 0 : i32
    %dma_wait3A_52 = arith.constant 0 : i32
    %dma_wait3A_53 = tpu.memref_slice %arg10[%dma_wait3A_50, %dma_wait3A_51, %dma_wait3A_52] : memref<2x128x144xf32, #tpu.memory_space<vmem>> -> memref<1x128x144xf32, #tpu.memory_space<vmem>>
    %dma_wait3A_54 = tpu.memref_squeeze %dma_wait3A_53 : memref<1x128x144xf32, #tpu.memory_space<vmem>> -> memref<128x144xf32, #tpu.memory_space<vmem>>
    %dma_wait3A_55 = arith.constant 0 : i32
    %dma_wait3A_56 = arith.constant 0 : i32
    %dma_wait3A_57 = tpu.memref_slice %arg2[%dma_wait3A_55, %dma_wait3A_56] : memref<10016x144xf32, #tpu.memory_space<hbm>> -> memref<10016x144xf32, #tpu.memory_space<hbm>>
    tpu.wait_indirect_dma semaphore(%arg12 : memref<!tpu.dma_semaphore, #tpu.memory_space<semaphore_mem>>) src(%dma_wait3A_57 : memref<10016x144xf32, #tpu.memory_space<hbm>>) dst(%dma_wait3A_54 : memref<128x144xf32, #tpu.memory_space<vmem>>)
    %dma_start3A_58 = arith.constant 1 : i32
    %dma_start3A_59 = arith.constant 1 : i32
    %dma_start3A_60 = arith.constant 0 : i32
    %dma_start3A_61 = arith.constant 0 : i32
    %dma_start3A_62 = tpu.memref_slice %arg10[%dma_start3A_58, %dma_start3A_60, %dma_start3A_61] : memref<2x128x144xf32, #tpu.memory_space<vmem>> -> memref<1x128x144xf32, #tpu.memory_space<vmem>>
    %dma_start3A_63 = tpu.memref_squeeze %dma_start3A_62 : memref<1x128x144xf32, #tpu.memory_space<vmem>> -> memref<128x144xf32, #tpu.memory_space<vmem>>
    %dma_start3A_64 = arith.constant 0 : i32
    %dma_start3A_65 = tpu.memref_slice %arg9[%dma_start3A_59, %dma_start3A_64] : memref<2x128xi32, #tpu.memory_space<vmem>> -> memref<1x128xi32, #tpu.memory_space<vmem>>
    %dma_start3A_66 = tpu.memref_squeeze %dma_start3A_65 : memref<1x128xi32, #tpu.memory_space<vmem>> -> memref<128xi32, #tpu.memory_space<vmem>>
    %dma_start3A_67 = arith.constant 0 : i32
    %dma_start3A_68 = arith.constant 0 : i32
    %dma_start3A_69 = tpu.memref_slice %arg11[%dma_start3A_67, %dma_start3A_68] : memref<10240x144xf32, #tpu.memory_space<vmem_shared>> -> memref<10240x144xf32, #tpu.memory_space<vmem_shared>>
    tpu.enqueue_indirect_dma source(%dma_start3A_63 : memref<128x144xf32, #tpu.memory_space<vmem>>) target(%dma_start3A_69 : memref<10240x144xf32, #tpu.memory_space<vmem_shared>>) offsets(%dma_start3A_66 : memref<128xi32, #tpu.memory_space<vmem>>) semaphore(%arg14 : memref<!tpu.dma_semaphore, #tpu.memory_space<semaphore_mem>>) {add = true}
    %sub3A = arith.constant 1 : i32
    %sub3A_70 = arith.subi %select_n3A, %sub3A : i32
    %jit3A_71 = arith.constant 2 : i32
    %div3A = arith.divsi %sub3A_70, %jit3A_71 : i32
    %sign3A = arith.constant 0 : i32
    %sign3A_72 = arith.cmpi sgt, %sub3A_70, %sign3A : i32
    %sign3A_73 = arith.extui %sign3A_72 : i1 to i32
    %sign3A_74 = arith.constant 0 : i32
    %sign3A_75 = arith.cmpi slt, %sub3A_70, %sign3A_74 : i32
    %sign3A_76 = arith.extui %sign3A_75 : i1 to i32
    %sign3A_77 = arith.subi %sign3A_73, %sign3A_76 : i32
    %sign3A_78 = arith.constant 0 : i32
    %sign3A_79 = arith.cmpi sgt, %jit3A_71, %sign3A_78 : i32
    %sign3A_80 = arith.extui %sign3A_79 : i1 to i32
    %sign3A_81 = arith.constant 0 : i32
    %sign3A_82 = arith.cmpi slt, %jit3A_71, %sign3A_81 : i32
    %sign3A_83 = arith.extui %sign3A_82 : i1 to i32
    %sign3A_84 = arith.subi %sign3A_80, %sign3A_83 : i32
    %ne3A = arith.cmpi ne, %sign3A_77, %sign3A_84 : i32
    %rem3A = arith.remsi %sub3A_70, %jit3A_71 : i32
    %ne3A_85 = arith.constant 0 : i32
    %ne3A_86 = arith.cmpi ne, %rem3A, %ne3A_85 : i32
    %and3A = arith.andi %ne3A, %ne3A_86 : i1
    %sub3A_87 = arith.constant 1 : i32
    %sub3A_88 = arith.subi %div3A, %sub3A_87 : i32
    %select_n3A_89 = arith.select %and3A, %sub3A_88, %div3A : i32
    %while3A = arith.constant 0 : i32
    %while3A_90 = arith.constant 1 : i32
    %while3A_91 = arith.subi %select_n3A_89, %while3A_90 : i32
    %while3A_92 = arith.addi %while3A_90, %while3A_91 : i32
    %while3A_93 = arith.constant 1 : i32
    %while3A_94 = arith.divsi %while3A_91, %while3A_93 : i32
    %while3A_95 = arith.muli %while3A_94, %while3A_93 : i32
    %while3A_96 = arith.addi %while3A_90, %while3A_95 : i32
    %while3A_97 = arith.constant 1 : i32
    scf.for %while3A_182 = %while3A_90 to %while3A_96 step %while3A_97  : i32 {
      %mul3A_183 = arith.constant 2 : i32
      %mul3A_184 = arith.muli %mul3A_183, %while3A_182 : i32
      %add3A_185 = arith.constant 0 : i32
      %add3A_186 = arith.addi %mul3A_184, %add3A_185 : i32
      %dma_wait3A_187 = arith.constant 0 : i32
      %dma_wait3A_188 = arith.constant 0 : i32
      %dma_wait3A_189 = arith.constant 0 : i32
      %dma_wait3A_190 = tpu.memref_slice %arg10[%dma_wait3A_187, %dma_wait3A_188, %dma_wait3A_189] : memref<2x128x144xf32, #tpu.memory_space<vmem>> -> memref<1x128x144xf32, #tpu.memory_space<vmem>>
      %dma_wait3A_191 = tpu.memref_squeeze %dma_wait3A_190 : memref<1x128x144xf32, #tpu.memory_space<vmem>> -> memref<128x144xf32, #tpu.memory_space<vmem>>
      %dma_wait3A_192 = arith.constant 0 : i32
      %dma_wait3A_193 = arith.constant 0 : i32
      %dma_wait3A_194 = tpu.memref_slice %arg2[%dma_wait3A_192, %dma_wait3A_193] : memref<10016x144xf32, #tpu.memory_space<hbm>> -> memref<128x144xf32, #tpu.memory_space<hbm>>
      %dma_wait3A_195 = arith.constant 0 : i32
      %dma_wait3A_196 = arith.constant 0 : i32
      %dma_wait3A_197 = tpu.memref_slice %arg10[%dma_wait3A_187, %dma_wait3A_195, %dma_wait3A_196] : memref<2x128x144xf32, #tpu.memory_space<vmem>> -> memref<1x128x144xf32, #tpu.memory_space<vmem>>
      %dma_wait3A_198 = tpu.memref_squeeze %dma_wait3A_197 : memref<1x128x144xf32, #tpu.memory_space<vmem>> -> memref<128x144xf32, #tpu.memory_space<vmem>>
      %dma_wait3A_199 = arith.constant 0 : i32
      %dma_wait3A_200 = arith.constant 0 : i32
      %dma_wait3A_201 = tpu.memref_slice %arg2[%dma_wait3A_199, %dma_wait3A_200] : memref<10016x144xf32, #tpu.memory_space<hbm>> -> memref<128x144xf32, #tpu.memory_space<hbm>>
      tpu.wait_dma2 semaphore(%arg13 : memref<!tpu.dma_semaphore, #tpu.memory_space<semaphore_mem>>) src(%dma_wait3A_201 : memref<128x144xf32, #tpu.memory_space<hbm>>) dst(%dma_wait3A_198 : memref<128x144xf32, #tpu.memory_space<vmem>>)
      %add3A_202 = arith.addi %add3A, %add3A_186 : i32
      "tpu.region"() ({
        %run_scoped3A_283 = tpu.sem_alloc : memref<!tpu.dma_semaphore, #tpu.memory_space<semaphore_mem>>
        %dma_start3A_284 = arith.constant 0 : i32
        %dma_start3A_285 = tpu.memref_slice %arg3[%add3A_202, %dma_start3A_284] : memref<2528x128xi32, #tpu.memory_space<hbm>> -> memref<1x128xi32, #tpu.memory_space<hbm>>
        %dma_start3A_286 = tpu.memref_squeeze %dma_start3A_285 : memref<1x128xi32, #tpu.memory_space<hbm>> -> memref<128xi32, #tpu.memory_space<hbm>>
        %dma_start3A_287 = arith.constant 0 : i32
        %dma_start3A_288 = tpu.memref_slice %arg3[%add3A_202, %dma_start3A_287] : memref<2528x128xi32, #tpu.memory_space<hbm>> -> memref<1x128xi32, #tpu.memory_space<hbm>>
        %dma_start3A_289 = tpu.memref_squeeze %dma_start3A_288 : memref<1x128xi32, #tpu.memory_space<hbm>> -> memref<128xi32, #tpu.memory_space<hbm>>
        tpu.enqueue_dma source(%dma_start3A_289 : memref<128xi32, #tpu.memory_space<hbm>>) target(%arg7 : memref<128xi32, #tpu.memory_space<vmem>>) target_semaphore(%run_scoped3A_283 : memref<!tpu.dma_semaphore, #tpu.memory_space<semaphore_mem>>)
        %dma_wait3A_290 = arith.constant 0 : i32
        %dma_wait3A_291 = tpu.memref_slice %arg3[%add3A_202, %dma_wait3A_290] : memref<2528x128xi32, #tpu.memory_space<hbm>> -> memref<1x128xi32, #tpu.memory_space<hbm>>
        %dma_wait3A_292 = tpu.memref_squeeze %dma_wait3A_291 : memref<1x128xi32, #tpu.memory_space<hbm>> -> memref<128xi32, #tpu.memory_space<hbm>>
        %dma_wait3A_293 = arith.constant 0 : i32
        %dma_wait3A_294 = tpu.memref_slice %arg3[%add3A_202, %dma_wait3A_293] : memref<2528x128xi32, #tpu.memory_space<hbm>> -> memref<1x128xi32, #tpu.memory_space<hbm>>
        %dma_wait3A_295 = tpu.memref_squeeze %dma_wait3A_294 : memref<1x128xi32, #tpu.memory_space<hbm>> -> memref<128xi32, #tpu.memory_space<hbm>>
        tpu.wait_dma2 semaphore(%run_scoped3A_283 : memref<!tpu.dma_semaphore, #tpu.memory_space<semaphore_mem>>) src(%dma_wait3A_295 : memref<128xi32, #tpu.memory_space<hbm>>) dst(%arg7 : memref<128xi32, #tpu.memory_space<vmem>>)
        tpu.yield
      }) : () -> ()
      %add3A_203 = arith.addi %add3A, %add3A_186 : i32
      %run_scoped3A_204 = arith.constant 0 : i32
      "tpu.region"() ({
        %run_scoped3A_283 = tpu.sem_alloc : memref<!tpu.dma_semaphore, #tpu.memory_space<semaphore_mem>>
        %dma_start3A_284 = arith.constant 0 : i32
        %dma_start3A_285 = tpu.memref_slice %arg9[%run_scoped3A_204, %dma_start3A_284] : memref<2x128xi32, #tpu.memory_space<vmem>> -> memref<1x128xi32, #tpu.memory_space<vmem>>
        %dma_start3A_286 = tpu.memref_squeeze %dma_start3A_285 : memref<1x128xi32, #tpu.memory_space<vmem>> -> memref<128xi32, #tpu.memory_space<vmem>>
        %dma_start3A_287 = arith.constant 0 : i32
        %dma_start3A_288 = tpu.memref_slice %arg4[%add3A_203, %dma_start3A_287] : memref<2528x128xi32, #tpu.memory_space<hbm>> -> memref<1x128xi32, #tpu.memory_space<hbm>>
        %dma_start3A_289 = tpu.memref_squeeze %dma_start3A_288 : memref<1x128xi32, #tpu.memory_space<hbm>> -> memref<128xi32, #tpu.memory_space<hbm>>
        %dma_start3A_290 = arith.constant 0 : i32
        %dma_start3A_291 = tpu.memref_slice %arg9[%run_scoped3A_204, %dma_start3A_290] : memref<2x128xi32, #tpu.memory_space<vmem>> -> memref<1x128xi32, #tpu.memory_space<vmem>>
        %dma_start3A_292 = tpu.memref_squeeze %dma_start3A_291 : memref<1x128xi32, #tpu.memory_space<vmem>> -> memref<128xi32, #tpu.memory_space<vmem>>
        %dma_start3A_293 = arith.constant 0 : i32
        %dma_start3A_294 = tpu.memref_slice %arg4[%add3A_203, %dma_start3A_293] : memref<2528x128xi32, #tpu.memory_space<hbm>> -> memref<1x128xi32, #tpu.memory_space<hbm>>
        %dma_start3A_295 = tpu.memref_squeeze %dma_start3A_294 : memref<1x128xi32, #tpu.memory_space<hbm>> -> memref<128xi32, #tpu.memory_space<hbm>>
        tpu.enqueue_dma source(%dma_start3A_295 : memref<128xi32, #tpu.memory_space<hbm>>) target(%dma_start3A_292 : memref<128xi32, #tpu.memory_space<vmem>>) target_semaphore(%run_scoped3A_283 : memref<!tpu.dma_semaphore, #tpu.memory_space<semaphore_mem>>)
        %dma_wait3A_296 = arith.constant 0 : i32
        %dma_wait3A_297 = tpu.memref_slice %arg9[%run_scoped3A_204, %dma_wait3A_296] : memref<2x128xi32, #tpu.memory_space<vmem>> -> memref<1x128xi32, #tpu.memory_space<vmem>>
        %dma_wait3A_298 = tpu.memref_squeeze %dma_wait3A_297 : memref<1x128xi32, #tpu.memory_space<vmem>> -> memref<128xi32, #tpu.memory_space<vmem>>
        %dma_wait3A_299 = arith.constant 0 : i32
        %dma_wait3A_300 = tpu.memref_slice %arg4[%add3A_203, %dma_wait3A_299] : memref<2528x128xi32, #tpu.memory_space<hbm>> -> memref<1x128xi32, #tpu.memory_space<hbm>>
        %dma_wait3A_301 = tpu.memref_squeeze %dma_wait3A_300 : memref<1x128xi32, #tpu.memory_space<hbm>> -> memref<128xi32, #tpu.memory_space<hbm>>
        %dma_wait3A_302 = arith.constant 0 : i32
        %dma_wait3A_303 = tpu.memref_slice %arg9[%run_scoped3A_204, %dma_wait3A_302] : memref<2x128xi32, #tpu.memory_space<vmem>> -> memref<1x128xi32, #tpu.memory_space<vmem>>
        %dma_wait3A_304 = tpu.memref_squeeze %dma_wait3A_303 : memref<1x128xi32, #tpu.memory_space<vmem>> -> memref<128xi32, #tpu.memory_space<vmem>>
        %dma_wait3A_305 = arith.constant 0 : i32
        %dma_wait3A_306 = tpu.memref_slice %arg4[%add3A_203, %dma_wait3A_305] : memref<2528x128xi32, #tpu.memory_space<hbm>> -> memref<1x128xi32, #tpu.memory_space<hbm>>
        %dma_wait3A_307 = tpu.memref_squeeze %dma_wait3A_306 : memref<1x128xi32, #tpu.memory_space<hbm>> -> memref<128xi32, #tpu.memory_space<hbm>>
        tpu.wait_dma2 semaphore(%run_scoped3A_283 : memref<!tpu.dma_semaphore, #tpu.memory_space<semaphore_mem>>) src(%dma_wait3A_307 : memref<128xi32, #tpu.memory_space<hbm>>) dst(%dma_wait3A_304 : memref<128xi32, #tpu.memory_space<vmem>>)
        tpu.yield
      }) : () -> ()
      %dma_start3A_205 = arith.constant 0 : i32
      %dma_start3A_206 = arith.constant 0 : i32
      %dma_start3A_207 = arith.constant 0 : i32
      %dma_start3A_208 = tpu.memref_slice %arg10[%dma_start3A_205, %dma_start3A_206, %dma_start3A_207] : memref<2x128x144xf32, #tpu.memory_space<vmem>> -> memref<1x128x144xf32, #tpu.memory_space<vmem>>
      %dma_start3A_209 = tpu.memref_squeeze %dma_start3A_208 : memref<1x128x144xf32, #tpu.memory_space<vmem>> -> memref<128x144xf32, #tpu.memory_space<vmem>>
      %dma_start3A_210 = arith.constant 0 : i32
      %dma_start3A_211 = arith.constant 0 : i32
      %dma_start3A_212 = tpu.memref_slice %arg2[%dma_start3A_210, %dma_start3A_211] : memref<10016x144xf32, #tpu.memory_space<hbm>> -> memref<10016x144xf32, #tpu.memory_space<hbm>>
      tpu.enqueue_indirect_dma source(%dma_start3A_212 : memref<10016x144xf32, #tpu.memory_space<hbm>>) target(%dma_start3A_209 : memref<128x144xf32, #tpu.memory_space<vmem>>) offsets(%arg7 : memref<128xi32, #tpu.memory_space<vmem>>) semaphore(%arg12 : memref<!tpu.dma_semaphore, #tpu.memory_space<semaphore_mem>>)
      %dma_wait3A_213 = arith.constant 0 : i32
      %dma_wait3A_214 = arith.constant 0 : i32
      %dma_wait3A_215 = arith.constant 0 : i32
      %dma_wait3A_216 = tpu.memref_slice %arg10[%dma_wait3A_213, %dma_wait3A_214, %dma_wait3A_215] : memref<2x128x144xf32, #tpu.memory_space<vmem>> -> memref<1x128x144xf32, #tpu.memory_space<vmem>>
      %dma_wait3A_217 = tpu.memref_squeeze %dma_wait3A_216 : memref<1x128x144xf32, #tpu.memory_space<vmem>> -> memref<128x144xf32, #tpu.memory_space<vmem>>
      %dma_wait3A_218 = arith.constant 0 : i32
      %dma_wait3A_219 = arith.constant 0 : i32
      %dma_wait3A_220 = tpu.memref_slice %arg2[%dma_wait3A_218, %dma_wait3A_219] : memref<10016x144xf32, #tpu.memory_space<hbm>> -> memref<10016x144xf32, #tpu.memory_space<hbm>>
      tpu.wait_indirect_dma semaphore(%arg12 : memref<!tpu.dma_semaphore, #tpu.memory_space<semaphore_mem>>) src(%dma_wait3A_220 : memref<10016x144xf32, #tpu.memory_space<hbm>>) dst(%dma_wait3A_217 : memref<128x144xf32, #tpu.memory_space<vmem>>)
      %dma_start3A_221 = arith.constant 0 : i32
      %dma_start3A_222 = arith.constant 0 : i32
      %dma_start3A_223 = arith.constant 0 : i32
      %dma_start3A_224 = arith.constant 0 : i32
      %dma_start3A_225 = tpu.memref_slice %arg10[%dma_start3A_221, %dma_start3A_223, %dma_start3A_224] : memref<2x128x144xf32, #tpu.memory_space<vmem>> -> memref<1x128x144xf32, #tpu.memory_space<vmem>>
      %dma_start3A_226 = tpu.memref_squeeze %dma_start3A_225 : memref<1x128x144xf32, #tpu.memory_space<vmem>> -> memref<128x144xf32, #tpu.memory_space<vmem>>
      %dma_start3A_227 = arith.constant 0 : i32
      %dma_start3A_228 = tpu.memref_slice %arg9[%dma_start3A_222, %dma_start3A_227] : memref<2x128xi32, #tpu.memory_space<vmem>> -> memref<1x128xi32, #tpu.memory_space<vmem>>
      %dma_start3A_229 = tpu.memref_squeeze %dma_start3A_228 : memref<1x128xi32, #tpu.memory_space<vmem>> -> memref<128xi32, #tpu.memory_space<vmem>>
      %dma_start3A_230 = arith.constant 0 : i32
      %dma_start3A_231 = arith.constant 0 : i32
      %dma_start3A_232 = tpu.memref_slice %arg11[%dma_start3A_230, %dma_start3A_231] : memref<10240x144xf32, #tpu.memory_space<vmem_shared>> -> memref<10240x144xf32, #tpu.memory_space<vmem_shared>>
      tpu.enqueue_indirect_dma source(%dma_start3A_226 : memref<128x144xf32, #tpu.memory_space<vmem>>) target(%dma_start3A_232 : memref<10240x144xf32, #tpu.memory_space<vmem_shared>>) offsets(%dma_start3A_229 : memref<128xi32, #tpu.memory_space<vmem>>) semaphore(%arg13 : memref<!tpu.dma_semaphore, #tpu.memory_space<semaphore_mem>>) {add = true}
      %mul3A_233 = arith.constant 2 : i32
      %mul3A_234 = arith.muli %mul3A_233, %while3A_182 : i32
      %add3A_235 = arith.constant 1 : i32
      %add3A_236 = arith.addi %mul3A_234, %add3A_235 : i32
      %dma_wait3A_237 = arith.constant 1 : i32
      %dma_wait3A_238 = arith.constant 0 : i32
      %dma_wait3A_239 = arith.constant 0 : i32
      %dma_wait3A_240 = tpu.memref_slice %arg10[%dma_wait3A_237, %dma_wait3A_238, %dma_wait3A_239] : memref<2x128x144xf32, #tpu.memory_space<vmem>> -> memref<1x128x144xf32, #tpu.memory_space<vmem>>
      %dma_wait3A_241 = tpu.memref_squeeze %dma_wait3A_240 : memref<1x128x144xf32, #tpu.memory_space<vmem>> -> memref<128x144xf32, #tpu.memory_space<vmem>>
      %dma_wait3A_242 = arith.constant 0 : i32
      %dma_wait3A_243 = arith.constant 0 : i32
      %dma_wait3A_244 = tpu.memref_slice %arg2[%dma_wait3A_242, %dma_wait3A_243] : memref<10016x144xf32, #tpu.memory_space<hbm>> -> memref<128x144xf32, #tpu.memory_space<hbm>>
      %dma_wait3A_245 = arith.constant 0 : i32
      %dma_wait3A_246 = arith.constant 0 : i32
      %dma_wait3A_247 = tpu.memref_slice %arg10[%dma_wait3A_237, %dma_wait3A_245, %dma_wait3A_246] : memref<2x128x144xf32, #tpu.memory_space<vmem>> -> memref<1x128x144xf32, #tpu.memory_space<vmem>>
      %dma_wait3A_248 = tpu.memref_squeeze %dma_wait3A_247 : memref<1x128x144xf32, #tpu.memory_space<vmem>> -> memref<128x144xf32, #tpu.memory_space<vmem>>
      %dma_wait3A_249 = arith.constant 0 : i32
      %dma_wait3A_250 = arith.constant 0 : i32
      %dma_wait3A_251 = tpu.memref_slice %arg2[%dma_wait3A_249, %dma_wait3A_250] : memref<10016x144xf32, #tpu.memory_space<hbm>> -> memref<128x144xf32, #tpu.memory_space<hbm>>
      tpu.wait_dma2 semaphore(%arg14 : memref<!tpu.dma_semaphore, #tpu.memory_space<semaphore_mem>>) src(%dma_wait3A_251 : memref<128x144xf32, #tpu.memory_space<hbm>>) dst(%dma_wait3A_248 : memref<128x144xf32, #tpu.memory_space<vmem>>)
      %add3A_252 = arith.addi %add3A, %add3A_236 : i32
      "tpu.region"() ({
        %run_scoped3A_283 = tpu.sem_alloc : memref<!tpu.dma_semaphore, #tpu.memory_space<semaphore_mem>>
        %dma_start3A_284 = arith.constant 0 : i32
        %dma_start3A_285 = tpu.memref_slice %arg3[%add3A_252, %dma_start3A_284] : memref<2528x128xi32, #tpu.memory_space<hbm>> -> memref<1x128xi32, #tpu.memory_space<hbm>>
        %dma_start3A_286 = tpu.memref_squeeze %dma_start3A_285 : memref<1x128xi32, #tpu.memory_space<hbm>> -> memref<128xi32, #tpu.memory_space<hbm>>
        %dma_start3A_287 = arith.constant 0 : i32
        %dma_start3A_288 = tpu.memref_slice %arg3[%add3A_252, %dma_start3A_287] : memref<2528x128xi32, #tpu.memory_space<hbm>> -> memref<1x128xi32, #tpu.memory_space<hbm>>
        %dma_start3A_289 = tpu.memref_squeeze %dma_start3A_288 : memref<1x128xi32, #tpu.memory_space<hbm>> -> memref<128xi32, #tpu.memory_space<hbm>>
        tpu.enqueue_dma source(%dma_start3A_289 : memref<128xi32, #tpu.memory_space<hbm>>) target(%arg8 : memref<128xi32, #tpu.memory_space<vmem>>) target_semaphore(%run_scoped3A_283 : memref<!tpu.dma_semaphore, #tpu.memory_space<semaphore_mem>>)
        %dma_wait3A_290 = arith.constant 0 : i32
        %dma_wait3A_291 = tpu.memref_slice %arg3[%add3A_252, %dma_wait3A_290] : memref<2528x128xi32, #tpu.memory_space<hbm>> -> memref<1x128xi32, #tpu.memory_space<hbm>>
        %dma_wait3A_292 = tpu.memref_squeeze %dma_wait3A_291 : memref<1x128xi32, #tpu.memory_space<hbm>> -> memref<128xi32, #tpu.memory_space<hbm>>
        %dma_wait3A_293 = arith.constant 0 : i32
        %dma_wait3A_294 = tpu.memref_slice %arg3[%add3A_252, %dma_wait3A_293] : memref<2528x128xi32, #tpu.memory_space<hbm>> -> memref<1x128xi32, #tpu.memory_space<hbm>>
        %dma_wait3A_295 = tpu.memref_squeeze %dma_wait3A_294 : memref<1x128xi32, #tpu.memory_space<hbm>> -> memref<128xi32, #tpu.memory_space<hbm>>
        tpu.wait_dma2 semaphore(%run_scoped3A_283 : memref<!tpu.dma_semaphore, #tpu.memory_space<semaphore_mem>>) src(%dma_wait3A_295 : memref<128xi32, #tpu.memory_space<hbm>>) dst(%arg8 : memref<128xi32, #tpu.memory_space<vmem>>)
        tpu.yield
      }) : () -> ()
      %add3A_253 = arith.addi %add3A, %add3A_236 : i32
      %run_scoped3A_254 = arith.constant 1 : i32
      "tpu.region"() ({
        %run_scoped3A_283 = tpu.sem_alloc : memref<!tpu.dma_semaphore, #tpu.memory_space<semaphore_mem>>
        %dma_start3A_284 = arith.constant 0 : i32
        %dma_start3A_285 = tpu.memref_slice %arg9[%run_scoped3A_254, %dma_start3A_284] : memref<2x128xi32, #tpu.memory_space<vmem>> -> memref<1x128xi32, #tpu.memory_space<vmem>>
        %dma_start3A_286 = tpu.memref_squeeze %dma_start3A_285 : memref<1x128xi32, #tpu.memory_space<vmem>> -> memref<128xi32, #tpu.memory_space<vmem>>
        %dma_start3A_287 = arith.constant 0 : i32
        %dma_start3A_288 = tpu.memref_slice %arg4[%add3A_253, %dma_start3A_287] : memref<2528x128xi32, #tpu.memory_space<hbm>> -> memref<1x128xi32, #tpu.memory_space<hbm>>
        %dma_start3A_289 = tpu.memref_squeeze %dma_start3A_288 : memref<1x128xi32, #tpu.memory_space<hbm>> -> memref<128xi32, #tpu.memory_space<hbm>>
        %dma_start3A_290 = arith.constant 0 : i32
        %dma_start3A_291 = tpu.memref_slice %arg9[%run_scoped3A_254, %dma_start3A_290] : memref<2x128xi32, #tpu.memory_space<vmem>> -> memref<1x128xi32, #tpu.memory_space<vmem>>
        %dma_start3A_292 = tpu.memref_squeeze %dma_start3A_291 : memref<1x128xi32, #tpu.memory_space<vmem>> -> memref<128xi32, #tpu.memory_space<vmem>>
        %dma_start3A_293 = arith.constant 0 : i32
        %dma_start3A_294 = tpu.memref_slice %arg4[%add3A_253, %dma_start3A_293] : memref<2528x128xi32, #tpu.memory_space<hbm>> -> memref<1x128xi32, #tpu.memory_space<hbm>>
        %dma_start3A_295 = tpu.memref_squeeze %dma_start3A_294 : memref<1x128xi32, #tpu.memory_space<hbm>> -> memref<128xi32, #tpu.memory_space<hbm>>
        tpu.enqueue_dma source(%dma_start3A_295 : memref<128xi32, #tpu.memory_space<hbm>>) target(%dma_start3A_292 : memref<128xi32, #tpu.memory_space<vmem>>) target_semaphore(%run_scoped3A_283 : memref<!tpu.dma_semaphore, #tpu.memory_space<semaphore_mem>>)
        %dma_wait3A_296 = arith.constant 0 : i32
        %dma_wait3A_297 = tpu.memref_slice %arg9[%run_scoped3A_254, %dma_wait3A_296] : memref<2x128xi32, #tpu.memory_space<vmem>> -> memref<1x128xi32, #tpu.memory_space<vmem>>
        %dma_wait3A_298 = tpu.memref_squeeze %dma_wait3A_297 : memref<1x128xi32, #tpu.memory_space<vmem>> -> memref<128xi32, #tpu.memory_space<vmem>>
        %dma_wait3A_299 = arith.constant 0 : i32
        %dma_wait3A_300 = tpu.memref_slice %arg4[%add3A_253, %dma_wait3A_299] : memref<2528x128xi32, #tpu.memory_space<hbm>> -> memref<1x128xi32, #tpu.memory_space<hbm>>
        %dma_wait3A_301 = tpu.memref_squeeze %dma_wait3A_300 : memref<1x128xi32, #tpu.memory_space<hbm>> -> memref<128xi32, #tpu.memory_space<hbm>>
        %dma_wait3A_302 = arith.constant 0 : i32
        %dma_wait3A_303 = tpu.memref_slice %arg9[%run_scoped3A_254, %dma_wait3A_302] : memref<2x128xi32, #tpu.memory_space<vmem>> -> memref<1x128xi32, #tpu.memory_space<vmem>>
        %dma_wait3A_304 = tpu.memref_squeeze %dma_wait3A_303 : memref<1x128xi32, #tpu.memory_space<vmem>> -> memref<128xi32, #tpu.memory_space<vmem>>
        %dma_wait3A_305 = arith.constant 0 : i32
        %dma_wait3A_306 = tpu.memref_slice %arg4[%add3A_253, %dma_wait3A_305] : memref<2528x128xi32, #tpu.memory_space<hbm>> -> memref<1x128xi32, #tpu.memory_space<hbm>>
        %dma_wait3A_307 = tpu.memref_squeeze %dma_wait3A_306 : memref<1x128xi32, #tpu.memory_space<hbm>> -> memref<128xi32, #tpu.memory_space<hbm>>
        tpu.wait_dma2 semaphore(%run_scoped3A_283 : memref<!tpu.dma_semaphore, #tpu.memory_space<semaphore_mem>>) src(%dma_wait3A_307 : memref<128xi32, #tpu.memory_space<hbm>>) dst(%dma_wait3A_304 : memref<128xi32, #tpu.memory_space<vmem>>)
        tpu.yield
      }) : () -> ()
      %dma_start3A_255 = arith.constant 1 : i32
      %dma_start3A_256 = arith.constant 0 : i32
      %dma_start3A_257 = arith.constant 0 : i32
      %dma_start3A_258 = tpu.memref_slice %arg10[%dma_start3A_255, %dma_start3A_256, %dma_start3A_257] : memref<2x128x144xf32, #tpu.memory_space<vmem>> -> memref<1x128x144xf32, #tpu.memory_space<vmem>>
      %dma_start3A_259 = tpu.memref_squeeze %dma_start3A_258 : memref<1x128x144xf32, #tpu.memory_space<vmem>> -> memref<128x144xf32, #tpu.memory_space<vmem>>
      %dma_start3A_260 = arith.constant 0 : i32
      %dma_start3A_261 = arith.constant 0 : i32
      %dma_start3A_262 = tpu.memref_slice %arg2[%dma_start3A_260, %dma_start3A_261] : memref<10016x144xf32, #tpu.memory_space<hbm>> -> memref<10016x144xf32, #tpu.memory_space<hbm>>
      tpu.enqueue_indirect_dma source(%dma_start3A_262 : memref<10016x144xf32, #tpu.memory_space<hbm>>) target(%dma_start3A_259 : memref<128x144xf32, #tpu.memory_space<vmem>>) offsets(%arg8 : memref<128xi32, #tpu.memory_space<vmem>>) semaphore(%arg12 : memref<!tpu.dma_semaphore, #tpu.memory_space<semaphore_mem>>)
      %dma_wait3A_263 = arith.constant 1 : i32
      %dma_wait3A_264 = arith.constant 0 : i32
      %dma_wait3A_265 = arith.constant 0 : i32
      %dma_wait3A_266 = tpu.memref_slice %arg10[%dma_wait3A_263, %dma_wait3A_264, %dma_wait3A_265] : memref<2x128x144xf32, #tpu.memory_space<vmem>> -> memref<1x128x144xf32, #tpu.memory_space<vmem>>
      %dma_wait3A_267 = tpu.memref_squeeze %dma_wait3A_266 : memref<1x128x144xf32, #tpu.memory_space<vmem>> -> memref<128x144xf32, #tpu.memory_space<vmem>>
      %dma_wait3A_268 = arith.constant 0 : i32
      %dma_wait3A_269 = arith.constant 0 : i32
      %dma_wait3A_270 = tpu.memref_slice %arg2[%dma_wait3A_268, %dma_wait3A_269] : memref<10016x144xf32, #tpu.memory_space<hbm>> -> memref<10016x144xf32, #tpu.memory_space<hbm>>
      tpu.wait_indirect_dma semaphore(%arg12 : memref<!tpu.dma_semaphore, #tpu.memory_space<semaphore_mem>>) src(%dma_wait3A_270 : memref<10016x144xf32, #tpu.memory_space<hbm>>) dst(%dma_wait3A_267 : memref<128x144xf32, #tpu.memory_space<vmem>>)
      %dma_start3A_271 = arith.constant 1 : i32
      %dma_start3A_272 = arith.constant 1 : i32
      %dma_start3A_273 = arith.constant 0 : i32
      %dma_start3A_274 = arith.constant 0 : i32
      %dma_start3A_275 = tpu.memref_slice %arg10[%dma_start3A_271, %dma_start3A_273, %dma_start3A_274] : memref<2x128x144xf32, #tpu.memory_space<vmem>> -> memref<1x128x144xf32, #tpu.memory_space<vmem>>
      %dma_start3A_276 = tpu.memref_squeeze %dma_start3A_275 : memref<1x128x144xf32, #tpu.memory_space<vmem>> -> memref<128x144xf32, #tpu.memory_space<vmem>>
      %dma_start3A_277 = arith.constant 0 : i32
      %dma_start3A_278 = tpu.memref_slice %arg9[%dma_start3A_272, %dma_start3A_277] : memref<2x128xi32, #tpu.memory_space<vmem>> -> memref<1x128xi32, #tpu.memory_space<vmem>>
      %dma_start3A_279 = tpu.memref_squeeze %dma_start3A_278 : memref<1x128xi32, #tpu.memory_space<vmem>> -> memref<128xi32, #tpu.memory_space<vmem>>
      %dma_start3A_280 = arith.constant 0 : i32
      %dma_start3A_281 = arith.constant 0 : i32
      %dma_start3A_282 = tpu.memref_slice %arg11[%dma_start3A_280, %dma_start3A_281] : memref<10240x144xf32, #tpu.memory_space<vmem_shared>> -> memref<10240x144xf32, #tpu.memory_space<vmem_shared>>
      tpu.enqueue_indirect_dma source(%dma_start3A_276 : memref<128x144xf32, #tpu.memory_space<vmem>>) target(%dma_start3A_282 : memref<10240x144xf32, #tpu.memory_space<vmem_shared>>) offsets(%dma_start3A_279 : memref<128xi32, #tpu.memory_space<vmem>>) semaphore(%arg14 : memref<!tpu.dma_semaphore, #tpu.memory_space<semaphore_mem>>) {add = true}
    }
    %while3A_98 = arith.constant 1 : i32
    scf.for %while3A_182 = %while3A_96 to %while3A_92 step %while3A_98  : i32 {
      %mul3A_183 = arith.constant 2 : i32
      %mul3A_184 = arith.muli %mul3A_183, %while3A_182 : i32
      %add3A_185 = arith.constant 0 : i32
      %add3A_186 = arith.addi %mul3A_184, %add3A_185 : i32
      %dma_wait3A_187 = arith.constant 0 : i32
      %dma_wait3A_188 = arith.constant 0 : i32
      %dma_wait3A_189 = arith.constant 0 : i32
      %dma_wait3A_190 = tpu.memref_slice %arg10[%dma_wait3A_187, %dma_wait3A_188, %dma_wait3A_189] : memref<2x128x144xf32, #tpu.memory_space<vmem>> -> memref<1x128x144xf32, #tpu.memory_space<vmem>>
      %dma_wait3A_191 = tpu.memref_squeeze %dma_wait3A_190 : memref<1x128x144xf32, #tpu.memory_space<vmem>> -> memref<128x144xf32, #tpu.memory_space<vmem>>
      %dma_wait3A_192 = arith.constant 0 : i32
      %dma_wait3A_193 = arith.constant 0 : i32
      %dma_wait3A_194 = tpu.memref_slice %arg2[%dma_wait3A_192, %dma_wait3A_193] : memref<10016x144xf32, #tpu.memory_space<hbm>> -> memref<128x144xf32, #tpu.memory_space<hbm>>
      %dma_wait3A_195 = arith.constant 0 : i32
      %dma_wait3A_196 = arith.constant 0 : i32
      %dma_wait3A_197 = tpu.memref_slice %arg10[%dma_wait3A_187, %dma_wait3A_195, %dma_wait3A_196] : memref<2x128x144xf32, #tpu.memory_space<vmem>> -> memref<1x128x144xf32, #tpu.memory_space<vmem>>
      %dma_wait3A_198 = tpu.memref_squeeze %dma_wait3A_197 : memref<1x128x144xf32, #tpu.memory_space<vmem>> -> memref<128x144xf32, #tpu.memory_space<vmem>>
      %dma_wait3A_199 = arith.constant 0 : i32
      %dma_wait3A_200 = arith.constant 0 : i32
      %dma_wait3A_201 = tpu.memref_slice %arg2[%dma_wait3A_199, %dma_wait3A_200] : memref<10016x144xf32, #tpu.memory_space<hbm>> -> memref<128x144xf32, #tpu.memory_space<hbm>>
      tpu.wait_dma2 semaphore(%arg13 : memref<!tpu.dma_semaphore, #tpu.memory_space<semaphore_mem>>) src(%dma_wait3A_201 : memref<128x144xf32, #tpu.memory_space<hbm>>) dst(%dma_wait3A_198 : memref<128x144xf32, #tpu.memory_space<vmem>>)
      %add3A_202 = arith.addi %add3A, %add3A_186 : i32
      "tpu.region"() ({
        %run_scoped3A_283 = tpu.sem_alloc : memref<!tpu.dma_semaphore, #tpu.memory_space<semaphore_mem>>
        %dma_start3A_284 = arith.constant 0 : i32
        %dma_start3A_285 = tpu.memref_slice %arg3[%add3A_202, %dma_start3A_284] : memref<2528x128xi32, #tpu.memory_space<hbm>> -> memref<1x128xi32, #tpu.memory_space<hbm>>
        %dma_start3A_286 = tpu.memref_squeeze %dma_start3A_285 : memref<1x128xi32, #tpu.memory_space<hbm>> -> memref<128xi32, #tpu.memory_space<hbm>>
        %dma_start3A_287 = arith.constant 0 : i32
        %dma_start3A_288 = tpu.memref_slice %arg3[%add3A_202, %dma_start3A_287] : memref<2528x128xi32, #tpu.memory_space<hbm>> -> memref<1x128xi32, #tpu.memory_space<hbm>>
        %dma_start3A_289 = tpu.memref_squeeze %dma_start3A_288 : memref<1x128xi32, #tpu.memory_space<hbm>> -> memref<128xi32, #tpu.memory_space<hbm>>
        tpu.enqueue_dma source(%dma_start3A_289 : memref<128xi32, #tpu.memory_space<hbm>>) target(%arg7 : memref<128xi32, #tpu.memory_space<vmem>>) target_semaphore(%run_scoped3A_283 : memref<!tpu.dma_semaphore, #tpu.memory_space<semaphore_mem>>)
        %dma_wait3A_290 = arith.constant 0 : i32
        %dma_wait3A_291 = tpu.memref_slice %arg3[%add3A_202, %dma_wait3A_290] : memref<2528x128xi32, #tpu.memory_space<hbm>> -> memref<1x128xi32, #tpu.memory_space<hbm>>
        %dma_wait3A_292 = tpu.memref_squeeze %dma_wait3A_291 : memref<1x128xi32, #tpu.memory_space<hbm>> -> memref<128xi32, #tpu.memory_space<hbm>>
        %dma_wait3A_293 = arith.constant 0 : i32
        %dma_wait3A_294 = tpu.memref_slice %arg3[%add3A_202, %dma_wait3A_293] : memref<2528x128xi32, #tpu.memory_space<hbm>> -> memref<1x128xi32, #tpu.memory_space<hbm>>
        %dma_wait3A_295 = tpu.memref_squeeze %dma_wait3A_294 : memref<1x128xi32, #tpu.memory_space<hbm>> -> memref<128xi32, #tpu.memory_space<hbm>>
        tpu.wait_dma2 semaphore(%run_scoped3A_283 : memref<!tpu.dma_semaphore, #tpu.memory_space<semaphore_mem>>) src(%dma_wait3A_295 : memref<128xi32, #tpu.memory_space<hbm>>) dst(%arg7 : memref<128xi32, #tpu.memory_space<vmem>>)
        tpu.yield
      }) : () -> ()
      %add3A_203 = arith.addi %add3A, %add3A_186 : i32
      %run_scoped3A_204 = arith.constant 0 : i32
      "tpu.region"() ({
        %run_scoped3A_283 = tpu.sem_alloc : memref<!tpu.dma_semaphore, #tpu.memory_space<semaphore_mem>>
        %dma_start3A_284 = arith.constant 0 : i32
        %dma_start3A_285 = tpu.memref_slice %arg9[%run_scoped3A_204, %dma_start3A_284] : memref<2x128xi32, #tpu.memory_space<vmem>> -> memref<1x128xi32, #tpu.memory_space<vmem>>
        %dma_start3A_286 = tpu.memref_squeeze %dma_start3A_285 : memref<1x128xi32, #tpu.memory_space<vmem>> -> memref<128xi32, #tpu.memory_space<vmem>>
        %dma_start3A_287 = arith.constant 0 : i32
        %dma_start3A_288 = tpu.memref_slice %arg4[%add3A_203, %dma_start3A_287] : memref<2528x128xi32, #tpu.memory_space<hbm>> -> memref<1x128xi32, #tpu.memory_space<hbm>>
        %dma_start3A_289 = tpu.memref_squeeze %dma_start3A_288 : memref<1x128xi32, #tpu.memory_space<hbm>> -> memref<128xi32, #tpu.memory_space<hbm>>
        %dma_start3A_290 = arith.constant 0 : i32
        %dma_start3A_291 = tpu.memref_slice %arg9[%run_scoped3A_204, %dma_start3A_290] : memref<2x128xi32, #tpu.memory_space<vmem>> -> memref<1x128xi32, #tpu.memory_space<vmem>>
        %dma_start3A_292 = tpu.memref_squeeze %dma_start3A_291 : memref<1x128xi32, #tpu.memory_space<vmem>> -> memref<128xi32, #tpu.memory_space<vmem>>
        %dma_start3A_293 = arith.constant 0 : i32
        %dma_start3A_294 = tpu.memref_slice %arg4[%add3A_203, %dma_start3A_293] : memref<2528x128xi32, #tpu.memory_space<hbm>> -> memref<1x128xi32, #tpu.memory_space<hbm>>
        %dma_start3A_295 = tpu.memref_squeeze %dma_start3A_294 : memref<1x128xi32, #tpu.memory_space<hbm>> -> memref<128xi32, #tpu.memory_space<hbm>>
        tpu.enqueue_dma source(%dma_start3A_295 : memref<128xi32, #tpu.memory_space<hbm>>) target(%dma_start3A_292 : memref<128xi32, #tpu.memory_space<vmem>>) target_semaphore(%run_scoped3A_283 : memref<!tpu.dma_semaphore, #tpu.memory_space<semaphore_mem>>)
        %dma_wait3A_296 = arith.constant 0 : i32
        %dma_wait3A_297 = tpu.memref_slice %arg9[%run_scoped3A_204, %dma_wait3A_296] : memref<2x128xi32, #tpu.memory_space<vmem>> -> memref<1x128xi32, #tpu.memory_space<vmem>>
        %dma_wait3A_298 = tpu.memref_squeeze %dma_wait3A_297 : memref<1x128xi32, #tpu.memory_space<vmem>> -> memref<128xi32, #tpu.memory_space<vmem>>
        %dma_wait3A_299 = arith.constant 0 : i32
        %dma_wait3A_300 = tpu.memref_slice %arg4[%add3A_203, %dma_wait3A_299] : memref<2528x128xi32, #tpu.memory_space<hbm>> -> memref<1x128xi32, #tpu.memory_space<hbm>>
        %dma_wait3A_301 = tpu.memref_squeeze %dma_wait3A_300 : memref<1x128xi32, #tpu.memory_space<hbm>> -> memref<128xi32, #tpu.memory_space<hbm>>
        %dma_wait3A_302 = arith.constant 0 : i32
        %dma_wait3A_303 = tpu.memref_slice %arg9[%run_scoped3A_204, %dma_wait3A_302] : memref<2x128xi32, #tpu.memory_space<vmem>> -> memref<1x128xi32, #tpu.memory_space<vmem>>
        %dma_wait3A_304 = tpu.memref_squeeze %dma_wait3A_303 : memref<1x128xi32, #tpu.memory_space<vmem>> -> memref<128xi32, #tpu.memory_space<vmem>>
        %dma_wait3A_305 = arith.constant 0 : i32
        %dma_wait3A_306 = tpu.memref_slice %arg4[%add3A_203, %dma_wait3A_305] : memref<2528x128xi32, #tpu.memory_space<hbm>> -> memref<1x128xi32, #tpu.memory_space<hbm>>
        %dma_wait3A_307 = tpu.memref_squeeze %dma_wait3A_306 : memref<1x128xi32, #tpu.memory_space<hbm>> -> memref<128xi32, #tpu.memory_space<hbm>>
        tpu.wait_dma2 semaphore(%run_scoped3A_283 : memref<!tpu.dma_semaphore, #tpu.memory_space<semaphore_mem>>) src(%dma_wait3A_307 : memref<128xi32, #tpu.memory_space<hbm>>) dst(%dma_wait3A_304 : memref<128xi32, #tpu.memory_space<vmem>>)
        tpu.yield
      }) : () -> ()
      %dma_start3A_205 = arith.constant 0 : i32
      %dma_start3A_206 = arith.constant 0 : i32
      %dma_start3A_207 = arith.constant 0 : i32
      %dma_start3A_208 = tpu.memref_slice %arg10[%dma_start3A_205, %dma_start3A_206, %dma_start3A_207] : memref<2x128x144xf32, #tpu.memory_space<vmem>> -> memref<1x128x144xf32, #tpu.memory_space<vmem>>
      %dma_start3A_209 = tpu.memref_squeeze %dma_start3A_208 : memref<1x128x144xf32, #tpu.memory_space<vmem>> -> memref<128x144xf32, #tpu.memory_space<vmem>>
      %dma_start3A_210 = arith.constant 0 : i32
      %dma_start3A_211 = arith.constant 0 : i32
      %dma_start3A_212 = tpu.memref_slice %arg2[%dma_start3A_210, %dma_start3A_211] : memref<10016x144xf32, #tpu.memory_space<hbm>> -> memref<10016x144xf32, #tpu.memory_space<hbm>>
      tpu.enqueue_indirect_dma source(%dma_start3A_212 : memref<10016x144xf32, #tpu.memory_space<hbm>>) target(%dma_start3A_209 : memref<128x144xf32, #tpu.memory_space<vmem>>) offsets(%arg7 : memref<128xi32, #tpu.memory_space<vmem>>) semaphore(%arg12 : memref<!tpu.dma_semaphore, #tpu.memory_space<semaphore_mem>>)
      %dma_wait3A_213 = arith.constant 0 : i32
      %dma_wait3A_214 = arith.constant 0 : i32
      %dma_wait3A_215 = arith.constant 0 : i32
      %dma_wait3A_216 = tpu.memref_slice %arg10[%dma_wait3A_213, %dma_wait3A_214, %dma_wait3A_215] : memref<2x128x144xf32, #tpu.memory_space<vmem>> -> memref<1x128x144xf32, #tpu.memory_space<vmem>>
      %dma_wait3A_217 = tpu.memref_squeeze %dma_wait3A_216 : memref<1x128x144xf32, #tpu.memory_space<vmem>> -> memref<128x144xf32, #tpu.memory_space<vmem>>
      %dma_wait3A_218 = arith.constant 0 : i32
      %dma_wait3A_219 = arith.constant 0 : i32
      %dma_wait3A_220 = tpu.memref_slice %arg2[%dma_wait3A_218, %dma_wait3A_219] : memref<10016x144xf32, #tpu.memory_space<hbm>> -> memref<10016x144xf32, #tpu.memory_space<hbm>>
      tpu.wait_indirect_dma semaphore(%arg12 : memref<!tpu.dma_semaphore, #tpu.memory_space<semaphore_mem>>) src(%dma_wait3A_220 : memref<10016x144xf32, #tpu.memory_space<hbm>>) dst(%dma_wait3A_217 : memref<128x144xf32, #tpu.memory_space<vmem>>)
      %dma_start3A_221 = arith.constant 0 : i32
      %dma_start3A_222 = arith.constant 0 : i32
      %dma_start3A_223 = arith.constant 0 : i32
      %dma_start3A_224 = arith.constant 0 : i32
      %dma_start3A_225 = tpu.memref_slice %arg10[%dma_start3A_221, %dma_start3A_223, %dma_start3A_224] : memref<2x128x144xf32, #tpu.memory_space<vmem>> -> memref<1x128x144xf32, #tpu.memory_space<vmem>>
      %dma_start3A_226 = tpu.memref_squeeze %dma_start3A_225 : memref<1x128x144xf32, #tpu.memory_space<vmem>> -> memref<128x144xf32, #tpu.memory_space<vmem>>
      %dma_start3A_227 = arith.constant 0 : i32
      %dma_start3A_228 = tpu.memref_slice %arg9[%dma_start3A_222, %dma_start3A_227] : memref<2x128xi32, #tpu.memory_space<vmem>> -> memref<1x128xi32, #tpu.memory_space<vmem>>
      %dma_start3A_229 = tpu.memref_squeeze %dma_start3A_228 : memref<1x128xi32, #tpu.memory_space<vmem>> -> memref<128xi32, #tpu.memory_space<vmem>>
      %dma_start3A_230 = arith.constant 0 : i32
      %dma_start3A_231 = arith.constant 0 : i32
      %dma_start3A_232 = tpu.memref_slice %arg11[%dma_start3A_230, %dma_start3A_231] : memref<10240x144xf32, #tpu.memory_space<vmem_shared>> -> memref<10240x144xf32, #tpu.memory_space<vmem_shared>>
      tpu.enqueue_indirect_dma source(%dma_start3A_226 : memref<128x144xf32, #tpu.memory_space<vmem>>) target(%dma_start3A_232 : memref<10240x144xf32, #tpu.memory_space<vmem_shared>>) offsets(%dma_start3A_229 : memref<128xi32, #tpu.memory_space<vmem>>) semaphore(%arg13 : memref<!tpu.dma_semaphore, #tpu.memory_space<semaphore_mem>>) {add = true}
      %mul3A_233 = arith.constant 2 : i32
      %mul3A_234 = arith.muli %mul3A_233, %while3A_182 : i32
      %add3A_235 = arith.constant 1 : i32
      %add3A_236 = arith.addi %mul3A_234, %add3A_235 : i32
      %dma_wait3A_237 = arith.constant 1 : i32
      %dma_wait3A_238 = arith.constant 0 : i32
      %dma_wait3A_239 = arith.constant 0 : i32
      %dma_wait3A_240 = tpu.memref_slice %arg10[%dma_wait3A_237, %dma_wait3A_238, %dma_wait3A_239] : memref<2x128x144xf32, #tpu.memory_space<vmem>> -> memref<1x128x144xf32, #tpu.memory_space<vmem>>
      %dma_wait3A_241 = tpu.memref_squeeze %dma_wait3A_240 : memref<1x128x144xf32, #tpu.memory_space<vmem>> -> memref<128x144xf32, #tpu.memory_space<vmem>>
      %dma_wait3A_242 = arith.constant 0 : i32
      %dma_wait3A_243 = arith.constant 0 : i32
      %dma_wait3A_244 = tpu.memref_slice %arg2[%dma_wait3A_242, %dma_wait3A_243] : memref<10016x144xf32, #tpu.memory_space<hbm>> -> memref<128x144xf32, #tpu.memory_space<hbm>>
      %dma_wait3A_245 = arith.constant 0 : i32
      %dma_wait3A_246 = arith.constant 0 : i32
      %dma_wait3A_247 = tpu.memref_slice %arg10[%dma_wait3A_237, %dma_wait3A_245, %dma_wait3A_246] : memref<2x128x144xf32, #tpu.memory_space<vmem>> -> memref<1x128x144xf32, #tpu.memory_space<vmem>>
      %dma_wait3A_248 = tpu.memref_squeeze %dma_wait3A_247 : memref<1x128x144xf32, #tpu.memory_space<vmem>> -> memref<128x144xf32, #tpu.memory_space<vmem>>
      %dma_wait3A_249 = arith.constant 0 : i32
      %dma_wait3A_250 = arith.constant 0 : i32
      %dma_wait3A_251 = tpu.memref_slice %arg2[%dma_wait3A_249, %dma_wait3A_250] : memref<10016x144xf32, #tpu.memory_space<hbm>> -> memref<128x144xf32, #tpu.memory_space<hbm>>
      tpu.wait_dma2 semaphore(%arg14 : memref<!tpu.dma_semaphore, #tpu.memory_space<semaphore_mem>>) src(%dma_wait3A_251 : memref<128x144xf32, #tpu.memory_space<hbm>>) dst(%dma_wait3A_248 : memref<128x144xf32, #tpu.memory_space<vmem>>)
      %add3A_252 = arith.addi %add3A, %add3A_236 : i32
      "tpu.region"() ({
        %run_scoped3A_283 = tpu.sem_alloc : memref<!tpu.dma_semaphore, #tpu.memory_space<semaphore_mem>>
        %dma_start3A_284 = arith.constant 0 : i32
        %dma_start3A_285 = tpu.memref_slice %arg3[%add3A_252, %dma_start3A_284] : memref<2528x128xi32, #tpu.memory_space<hbm>> -> memref<1x128xi32, #tpu.memory_space<hbm>>
        %dma_start3A_286 = tpu.memref_squeeze %dma_start3A_285 : memref<1x128xi32, #tpu.memory_space<hbm>> -> memref<128xi32, #tpu.memory_space<hbm>>
        %dma_start3A_287 = arith.constant 0 : i32
        %dma_start3A_288 = tpu.memref_slice %arg3[%add3A_252, %dma_start3A_287] : memref<2528x128xi32, #tpu.memory_space<hbm>> -> memref<1x128xi32, #tpu.memory_space<hbm>>
        %dma_start3A_289 = tpu.memref_squeeze %dma_start3A_288 : memref<1x128xi32, #tpu.memory_space<hbm>> -> memref<128xi32, #tpu.memory_space<hbm>>
        tpu.enqueue_dma source(%dma_start3A_289 : memref<128xi32, #tpu.memory_space<hbm>>) target(%arg8 : memref<128xi32, #tpu.memory_space<vmem>>) target_semaphore(%run_scoped3A_283 : memref<!tpu.dma_semaphore, #tpu.memory_space<semaphore_mem>>)
        %dma_wait3A_290 = arith.constant 0 : i32
        %dma_wait3A_291 = tpu.memref_slice %arg3[%add3A_252, %dma_wait3A_290] : memref<2528x128xi32, #tpu.memory_space<hbm>> -> memref<1x128xi32, #tpu.memory_space<hbm>>
        %dma_wait3A_292 = tpu.memref_squeeze %dma_wait3A_291 : memref<1x128xi32, #tpu.memory_space<hbm>> -> memref<128xi32, #tpu.memory_space<hbm>>
        %dma_wait3A_293 = arith.constant 0 : i32
        %dma_wait3A_294 = tpu.memref_slice %arg3[%add3A_252, %dma_wait3A_293] : memref<2528x128xi32, #tpu.memory_space<hbm>> -> memref<1x128xi32, #tpu.memory_space<hbm>>
        %dma_wait3A_295 = tpu.memref_squeeze %dma_wait3A_294 : memref<1x128xi32, #tpu.memory_space<hbm>> -> memref<128xi32, #tpu.memory_space<hbm>>
        tpu.wait_dma2 semaphore(%run_scoped3A_283 : memref<!tpu.dma_semaphore, #tpu.memory_space<semaphore_mem>>) src(%dma_wait3A_295 : memref<128xi32, #tpu.memory_space<hbm>>) dst(%arg8 : memref<128xi32, #tpu.memory_space<vmem>>)
        tpu.yield
      }) : () -> ()
      %add3A_253 = arith.addi %add3A, %add3A_236 : i32
      %run_scoped3A_254 = arith.constant 1 : i32
      "tpu.region"() ({
        %run_scoped3A_283 = tpu.sem_alloc : memref<!tpu.dma_semaphore, #tpu.memory_space<semaphore_mem>>
        %dma_start3A_284 = arith.constant 0 : i32
        %dma_start3A_285 = tpu.memref_slice %arg9[%run_scoped3A_254, %dma_start3A_284] : memref<2x128xi32, #tpu.memory_space<vmem>> -> memref<1x128xi32, #tpu.memory_space<vmem>>
        %dma_start3A_286 = tpu.memref_squeeze %dma_start3A_285 : memref<1x128xi32, #tpu.memory_space<vmem>> -> memref<128xi32, #tpu.memory_space<vmem>>
        %dma_start3A_287 = arith.constant 0 : i32
        %dma_start3A_288 = tpu.memref_slice %arg4[%add3A_253, %dma_start3A_287] : memref<2528x128xi32, #tpu.memory_space<hbm>> -> memref<1x128xi32, #tpu.memory_space<hbm>>
        %dma_start3A_289 = tpu.memref_squeeze %dma_start3A_288 : memref<1x128xi32, #tpu.memory_space<hbm>> -> memref<128xi32, #tpu.memory_space<hbm>>
        %dma_start3A_290 = arith.constant 0 : i32
        %dma_start3A_291 = tpu.memref_slice %arg9[%run_scoped3A_254, %dma_start3A_290] : memref<2x128xi32, #tpu.memory_space<vmem>> -> memref<1x128xi32, #tpu.memory_space<vmem>>
        %dma_start3A_292 = tpu.memref_squeeze %dma_start3A_291 : memref<1x128xi32, #tpu.memory_space<vmem>> -> memref<128xi32, #tpu.memory_space<vmem>>
        %dma_start3A_293 = arith.constant 0 : i32
        %dma_start3A_294 = tpu.memref_slice %arg4[%add3A_253, %dma_start3A_293] : memref<2528x128xi32, #tpu.memory_space<hbm>> -> memref<1x128xi32, #tpu.memory_space<hbm>>
        %dma_start3A_295 = tpu.memref_squeeze %dma_start3A_294 : memref<1x128xi32, #tpu.memory_space<hbm>> -> memref<128xi32, #tpu.memory_space<hbm>>
        tpu.enqueue_dma source(%dma_start3A_295 : memref<128xi32, #tpu.memory_space<hbm>>) target(%dma_start3A_292 : memref<128xi32, #tpu.memory_space<vmem>>) target_semaphore(%run_scoped3A_283 : memref<!tpu.dma_semaphore, #tpu.memory_space<semaphore_mem>>)
        %dma_wait3A_296 = arith.constant 0 : i32
        %dma_wait3A_297 = tpu.memref_slice %arg9[%run_scoped3A_254, %dma_wait3A_296] : memref<2x128xi32, #tpu.memory_space<vmem>> -> memref<1x128xi32, #tpu.memory_space<vmem>>
        %dma_wait3A_298 = tpu.memref_squeeze %dma_wait3A_297 : memref<1x128xi32, #tpu.memory_space<vmem>> -> memref<128xi32, #tpu.memory_space<vmem>>
        %dma_wait3A_299 = arith.constant 0 : i32
        %dma_wait3A_300 = tpu.memref_slice %arg4[%add3A_253, %dma_wait3A_299] : memref<2528x128xi32, #tpu.memory_space<hbm>> -> memref<1x128xi32, #tpu.memory_space<hbm>>
        %dma_wait3A_301 = tpu.memref_squeeze %dma_wait3A_300 : memref<1x128xi32, #tpu.memory_space<hbm>> -> memref<128xi32, #tpu.memory_space<hbm>>
        %dma_wait3A_302 = arith.constant 0 : i32
        %dma_wait3A_303 = tpu.memref_slice %arg9[%run_scoped3A_254, %dma_wait3A_302] : memref<2x128xi32, #tpu.memory_space<vmem>> -> memref<1x128xi32, #tpu.memory_space<vmem>>
        %dma_wait3A_304 = tpu.memref_squeeze %dma_wait3A_303 : memref<1x128xi32, #tpu.memory_space<vmem>> -> memref<128xi32, #tpu.memory_space<vmem>>
        %dma_wait3A_305 = arith.constant 0 : i32
        %dma_wait3A_306 = tpu.memref_slice %arg4[%add3A_253, %dma_wait3A_305] : memref<2528x128xi32, #tpu.memory_space<hbm>> -> memref<1x128xi32, #tpu.memory_space<hbm>>
        %dma_wait3A_307 = tpu.memref_squeeze %dma_wait3A_306 : memref<1x128xi32, #tpu.memory_space<hbm>> -> memref<128xi32, #tpu.memory_space<hbm>>
        tpu.wait_dma2 semaphore(%run_scoped3A_283 : memref<!tpu.dma_semaphore, #tpu.memory_space<semaphore_mem>>) src(%dma_wait3A_307 : memref<128xi32, #tpu.memory_space<hbm>>) dst(%dma_wait3A_304 : memref<128xi32, #tpu.memory_space<vmem>>)
        tpu.yield
      }) : () -> ()
      %dma_start3A_255 = arith.constant 1 : i32
      %dma_start3A_256 = arith.constant 0 : i32
      %dma_start3A_257 = arith.constant 0 : i32
      %dma_start3A_258 = tpu.memref_slice %arg10[%dma_start3A_255, %dma_start3A_256, %dma_start3A_257] : memref<2x128x144xf32, #tpu.memory_space<vmem>> -> memref<1x128x144xf32, #tpu.memory_space<vmem>>
      %dma_start3A_259 = tpu.memref_squeeze %dma_start3A_258 : memref<1x128x144xf32, #tpu.memory_space<vmem>> -> memref<128x144xf32, #tpu.memory_space<vmem>>
      %dma_start3A_260 = arith.constant 0 : i32
      %dma_start3A_261 = arith.constant 0 : i32
      %dma_start3A_262 = tpu.memref_slice %arg2[%dma_start3A_260, %dma_start3A_261] : memref<10016x144xf32, #tpu.memory_space<hbm>> -> memref<10016x144xf32, #tpu.memory_space<hbm>>
      tpu.enqueue_indirect_dma source(%dma_start3A_262 : memref<10016x144xf32, #tpu.memory_space<hbm>>) target(%dma_start3A_259 : memref<128x144xf32, #tpu.memory_space<vmem>>) offsets(%arg8 : memref<128xi32, #tpu.memory_space<vmem>>) semaphore(%arg12 : memref<!tpu.dma_semaphore, #tpu.memory_space<semaphore_mem>>)
      %dma_wait3A_263 = arith.constant 1 : i32
      %dma_wait3A_264 = arith.constant 0 : i32
      %dma_wait3A_265 = arith.constant 0 : i32
      %dma_wait3A_266 = tpu.memref_slice %arg10[%dma_wait3A_263, %dma_wait3A_264, %dma_wait3A_265] : memref<2x128x144xf32, #tpu.memory_space<vmem>> -> memref<1x128x144xf32, #tpu.memory_space<vmem>>
      %dma_wait3A_267 = tpu.memref_squeeze %dma_wait3A_266 : memref<1x128x144xf32, #tpu.memory_space<vmem>> -> memref<128x144xf32, #tpu.memory_space<vmem>>
      %dma_wait3A_268 = arith.constant 0 : i32
      %dma_wait3A_269 = arith.constant 0 : i32
      %dma_wait3A_270 = tpu.memref_slice %arg2[%dma_wait3A_268, %dma_wait3A_269] : memref<10016x144xf32, #tpu.memory_space<hbm>> -> memref<10016x144xf32, #tpu.memory_space<hbm>>
      tpu.wait_indirect_dma semaphore(%arg12 : memref<!tpu.dma_semaphore, #tpu.memory_space<semaphore_mem>>) src(%dma_wait3A_270 : memref<10016x144xf32, #tpu.memory_space<hbm>>) dst(%dma_wait3A_267 : memref<128x144xf32, #tpu.memory_space<vmem>>)
      %dma_start3A_271 = arith.constant 1 : i32
      %dma_start3A_272 = arith.constant 1 : i32
      %dma_start3A_273 = arith.constant 0 : i32
      %dma_start3A_274 = arith.constant 0 : i32
      %dma_start3A_275 = tpu.memref_slice %arg10[%dma_start3A_271, %dma_start3A_273, %dma_start3A_274] : memref<2x128x144xf32, #tpu.memory_space<vmem>> -> memref<1x128x144xf32, #tpu.memory_space<vmem>>
      %dma_start3A_276 = tpu.memref_squeeze %dma_start3A_275 : memref<1x128x144xf32, #tpu.memory_space<vmem>> -> memref<128x144xf32, #tpu.memory_space<vmem>>
      %dma_start3A_277 = arith.constant 0 : i32
      %dma_start3A_278 = tpu.memref_slice %arg9[%dma_start3A_272, %dma_start3A_277] : memref<2x128xi32, #tpu.memory_space<vmem>> -> memref<1x128xi32, #tpu.memory_space<vmem>>
      %dma_start3A_279 = tpu.memref_squeeze %dma_start3A_278 : memref<1x128xi32, #tpu.memory_space<vmem>> -> memref<128xi32, #tpu.memory_space<vmem>>
      %dma_start3A_280 = arith.constant 0 : i32
      %dma_start3A_281 = arith.constant 0 : i32
      %dma_start3A_282 = tpu.memref_slice %arg11[%dma_start3A_280, %dma_start3A_281] : memref<10240x144xf32, #tpu.memory_space<vmem_shared>> -> memref<10240x144xf32, #tpu.memory_space<vmem_shared>>
      tpu.enqueue_indirect_dma source(%dma_start3A_276 : memref<128x144xf32, #tpu.memory_space<vmem>>) target(%dma_start3A_282 : memref<10240x144xf32, #tpu.memory_space<vmem_shared>>) offsets(%dma_start3A_279 : memref<128xi32, #tpu.memory_space<vmem>>) semaphore(%arg14 : memref<!tpu.dma_semaphore, #tpu.memory_space<semaphore_mem>>) {add = true}
    }
    %dma_wait3A_99 = arith.constant 0 : i32
    %dma_wait3A_100 = arith.constant 0 : i32
    %dma_wait3A_101 = arith.constant 0 : i32
    %dma_wait3A_102 = tpu.memref_slice %arg10[%dma_wait3A_99, %dma_wait3A_100, %dma_wait3A_101] : memref<2x128x144xf32, #tpu.memory_space<vmem>> -> memref<1x128x144xf32, #tpu.memory_space<vmem>>
    %dma_wait3A_103 = tpu.memref_squeeze %dma_wait3A_102 : memref<1x128x144xf32, #tpu.memory_space<vmem>> -> memref<128x144xf32, #tpu.memory_space<vmem>>
    %dma_wait3A_104 = arith.constant 0 : i32
    %dma_wait3A_105 = arith.constant 0 : i32
    %dma_wait3A_106 = tpu.memref_slice %arg2[%dma_wait3A_104, %dma_wait3A_105] : memref<10016x144xf32, #tpu.memory_space<hbm>> -> memref<128x144xf32, #tpu.memory_space<hbm>>
    %dma_wait3A_107 = arith.constant 0 : i32
    %dma_wait3A_108 = arith.constant 0 : i32
    %dma_wait3A_109 = tpu.memref_slice %arg10[%dma_wait3A_99, %dma_wait3A_107, %dma_wait3A_108] : memref<2x128x144xf32, #tpu.memory_space<vmem>> -> memref<1x128x144xf32, #tpu.memory_space<vmem>>
    %dma_wait3A_110 = tpu.memref_squeeze %dma_wait3A_109 : memref<1x128x144xf32, #tpu.memory_space<vmem>> -> memref<128x144xf32, #tpu.memory_space<vmem>>
    %dma_wait3A_111 = arith.constant 0 : i32
    %dma_wait3A_112 = arith.constant 0 : i32
    %dma_wait3A_113 = tpu.memref_slice %arg2[%dma_wait3A_111, %dma_wait3A_112] : memref<10016x144xf32, #tpu.memory_space<hbm>> -> memref<128x144xf32, #tpu.memory_space<hbm>>
    tpu.wait_dma2 semaphore(%arg13 : memref<!tpu.dma_semaphore, #tpu.memory_space<semaphore_mem>>) src(%dma_wait3A_113 : memref<128x144xf32, #tpu.memory_space<hbm>>) dst(%dma_wait3A_110 : memref<128x144xf32, #tpu.memory_space<vmem>>)
    %sub3A_114 = arith.constant 1 : i32
    %sub3A_115 = arith.subi %select_n3A, %sub3A_114 : i32
    %add3A_116 = arith.addi %add3A, %sub3A_115 : i32
    "tpu.region"() ({
      %run_scoped3A_182 = tpu.sem_alloc : memref<!tpu.dma_semaphore, #tpu.memory_space<semaphore_mem>>
      %dma_start3A_183 = arith.constant 0 : i32
      %dma_start3A_184 = tpu.memref_slice %arg3[%add3A_116, %dma_start3A_183] : memref<2528x128xi32, #tpu.memory_space<hbm>> -> memref<1x128xi32, #tpu.memory_space<hbm>>
      %dma_start3A_185 = tpu.memref_squeeze %dma_start3A_184 : memref<1x128xi32, #tpu.memory_space<hbm>> -> memref<128xi32, #tpu.memory_space<hbm>>
      %dma_start3A_186 = arith.constant 0 : i32
      %dma_start3A_187 = tpu.memref_slice %arg3[%add3A_116, %dma_start3A_186] : memref<2528x128xi32, #tpu.memory_space<hbm>> -> memref<1x128xi32, #tpu.memory_space<hbm>>
      %dma_start3A_188 = tpu.memref_squeeze %dma_start3A_187 : memref<1x128xi32, #tpu.memory_space<hbm>> -> memref<128xi32, #tpu.memory_space<hbm>>
      tpu.enqueue_dma source(%dma_start3A_188 : memref<128xi32, #tpu.memory_space<hbm>>) target(%arg7 : memref<128xi32, #tpu.memory_space<vmem>>) target_semaphore(%run_scoped3A_182 : memref<!tpu.dma_semaphore, #tpu.memory_space<semaphore_mem>>)
      %dma_wait3A_189 = arith.constant 0 : i32
      %dma_wait3A_190 = tpu.memref_slice %arg3[%add3A_116, %dma_wait3A_189] : memref<2528x128xi32, #tpu.memory_space<hbm>> -> memref<1x128xi32, #tpu.memory_space<hbm>>
      %dma_wait3A_191 = tpu.memref_squeeze %dma_wait3A_190 : memref<1x128xi32, #tpu.memory_space<hbm>> -> memref<128xi32, #tpu.memory_space<hbm>>
      %dma_wait3A_192 = arith.constant 0 : i32
      %dma_wait3A_193 = tpu.memref_slice %arg3[%add3A_116, %dma_wait3A_192] : memref<2528x128xi32, #tpu.memory_space<hbm>> -> memref<1x128xi32, #tpu.memory_space<hbm>>
      %dma_wait3A_194 = tpu.memref_squeeze %dma_wait3A_193 : memref<1x128xi32, #tpu.memory_space<hbm>> -> memref<128xi32, #tpu.memory_space<hbm>>
      tpu.wait_dma2 semaphore(%run_scoped3A_182 : memref<!tpu.dma_semaphore, #tpu.memory_space<semaphore_mem>>) src(%dma_wait3A_194 : memref<128xi32, #tpu.memory_space<hbm>>) dst(%arg7 : memref<128xi32, #tpu.memory_space<vmem>>)
      tpu.yield
    }) : () -> ()
    %add3A_117 = arith.addi %add3A, %sub3A_115 : i32
    %run_scoped3A_118 = arith.constant 0 : i32
    "tpu.region"() ({
      %run_scoped3A_182 = tpu.sem_alloc : memref<!tpu.dma_semaphore, #tpu.memory_space<semaphore_mem>>
      %dma_start3A_183 = arith.constant 0 : i32
      %dma_start3A_184 = tpu.memref_slice %arg9[%run_scoped3A_118, %dma_start3A_183] : memref<2x128xi32, #tpu.memory_space<vmem>> -> memref<1x128xi32, #tpu.memory_space<vmem>>
      %dma_start3A_185 = tpu.memref_squeeze %dma_start3A_184 : memref<1x128xi32, #tpu.memory_space<vmem>> -> memref<128xi32, #tpu.memory_space<vmem>>
      %dma_start3A_186 = arith.constant 0 : i32
      %dma_start3A_187 = tpu.memref_slice %arg4[%add3A_117, %dma_start3A_186] : memref<2528x128xi32, #tpu.memory_space<hbm>> -> memref<1x128xi32, #tpu.memory_space<hbm>>
      %dma_start3A_188 = tpu.memref_squeeze %dma_start3A_187 : memref<1x128xi32, #tpu.memory_space<hbm>> -> memref<128xi32, #tpu.memory_space<hbm>>
      %dma_start3A_189 = arith.constant 0 : i32
      %dma_start3A_190 = tpu.memref_slice %arg9[%run_scoped3A_118, %dma_start3A_189] : memref<2x128xi32, #tpu.memory_space<vmem>> -> memref<1x128xi32, #tpu.memory_space<vmem>>
      %dma_start3A_191 = tpu.memref_squeeze %dma_start3A_190 : memref<1x128xi32, #tpu.memory_space<vmem>> -> memref<128xi32, #tpu.memory_space<vmem>>
      %dma_start3A_192 = arith.constant 0 : i32
      %dma_start3A_193 = tpu.memref_slice %arg4[%add3A_117, %dma_start3A_192] : memref<2528x128xi32, #tpu.memory_space<hbm>> -> memref<1x128xi32, #tpu.memory_space<hbm>>
      %dma_start3A_194 = tpu.memref_squeeze %dma_start3A_193 : memref<1x128xi32, #tpu.memory_space<hbm>> -> memref<128xi32, #tpu.memory_space<hbm>>
      tpu.enqueue_dma source(%dma_start3A_194 : memref<128xi32, #tpu.memory_space<hbm>>) target(%dma_start3A_191 : memref<128xi32, #tpu.memory_space<vmem>>) target_semaphore(%run_scoped3A_182 : memref<!tpu.dma_semaphore, #tpu.memory_space<semaphore_mem>>)
      %dma_wait3A_195 = arith.constant 0 : i32
      %dma_wait3A_196 = tpu.memref_slice %arg9[%run_scoped3A_118, %dma_wait3A_195] : memref<2x128xi32, #tpu.memory_space<vmem>> -> memref<1x128xi32, #tpu.memory_space<vmem>>
      %dma_wait3A_197 = tpu.memref_squeeze %dma_wait3A_196 : memref<1x128xi32, #tpu.memory_space<vmem>> -> memref<128xi32, #tpu.memory_space<vmem>>
      %dma_wait3A_198 = arith.constant 0 : i32
      %dma_wait3A_199 = tpu.memref_slice %arg4[%add3A_117, %dma_wait3A_198] : memref<2528x128xi32, #tpu.memory_space<hbm>> -> memref<1x128xi32, #tpu.memory_space<hbm>>
      %dma_wait3A_200 = tpu.memref_squeeze %dma_wait3A_199 : memref<1x128xi32, #tpu.memory_space<hbm>> -> memref<128xi32, #tpu.memory_space<hbm>>
      %dma_wait3A_201 = arith.constant 0 : i32
      %dma_wait3A_202 = tpu.memref_slice %arg9[%run_scoped3A_118, %dma_wait3A_201] : memref<2x128xi32, #tpu.memory_space<vmem>> -> memref<1x128xi32, #tpu.memory_space<vmem>>
      %dma_wait3A_203 = tpu.memref_squeeze %dma_wait3A_202 : memref<1x128xi32, #tpu.memory_space<vmem>> -> memref<128xi32, #tpu.memory_space<vmem>>
      %dma_wait3A_204 = arith.constant 0 : i32
      %dma_wait3A_205 = tpu.memref_slice %arg4[%add3A_117, %dma_wait3A_204] : memref<2528x128xi32, #tpu.memory_space<hbm>> -> memref<1x128xi32, #tpu.memory_space<hbm>>
      %dma_wait3A_206 = tpu.memref_squeeze %dma_wait3A_205 : memref<1x128xi32, #tpu.memory_space<hbm>> -> memref<128xi32, #tpu.memory_space<hbm>>
      tpu.wait_dma2 semaphore(%run_scoped3A_182 : memref<!tpu.dma_semaphore, #tpu.memory_space<semaphore_mem>>) src(%dma_wait3A_206 : memref<128xi32, #tpu.memory_space<hbm>>) dst(%dma_wait3A_203 : memref<128xi32, #tpu.memory_space<vmem>>)
      tpu.yield
    }) : () -> ()
    %dma_start3A_119 = arith.constant 0 : i32
    %dma_start3A_120 = arith.constant 0 : i32
    %dma_start3A_121 = arith.constant 0 : i32
    %dma_start3A_122 = tpu.memref_slice %arg10[%dma_start3A_119, %dma_start3A_120, %dma_start3A_121] : memref<2x128x144xf32, #tpu.memory_space<vmem>> -> memref<1x128x144xf32, #tpu.memory_space<vmem>>
    %dma_start3A_123 = tpu.memref_squeeze %dma_start3A_122 : memref<1x128x144xf32, #tpu.memory_space<vmem>> -> memref<128x144xf32, #tpu.memory_space<vmem>>
    %dma_start3A_124 = arith.constant 0 : i32
    %dma_start3A_125 = arith.constant 0 : i32
    %dma_start3A_126 = tpu.memref_slice %arg2[%dma_start3A_124, %dma_start3A_125] : memref<10016x144xf32, #tpu.memory_space<hbm>> -> memref<10016x144xf32, #tpu.memory_space<hbm>>
    tpu.enqueue_indirect_dma source(%dma_start3A_126 : memref<10016x144xf32, #tpu.memory_space<hbm>>) target(%dma_start3A_123 : memref<128x144xf32, #tpu.memory_space<vmem>>) offsets(%arg7 : memref<128xi32, #tpu.memory_space<vmem>>) semaphore(%arg12 : memref<!tpu.dma_semaphore, #tpu.memory_space<semaphore_mem>>)
    %dma_wait3A_127 = arith.constant 0 : i32
    %dma_wait3A_128 = arith.constant 0 : i32
    %dma_wait3A_129 = arith.constant 0 : i32
    %dma_wait3A_130 = tpu.memref_slice %arg10[%dma_wait3A_127, %dma_wait3A_128, %dma_wait3A_129] : memref<2x128x144xf32, #tpu.memory_space<vmem>> -> memref<1x128x144xf32, #tpu.memory_space<vmem>>
    %dma_wait3A_131 = tpu.memref_squeeze %dma_wait3A_130 : memref<1x128x144xf32, #tpu.memory_space<vmem>> -> memref<128x144xf32, #tpu.memory_space<vmem>>
    %dma_wait3A_132 = arith.constant 0 : i32
    %dma_wait3A_133 = arith.constant 0 : i32
    %dma_wait3A_134 = tpu.memref_slice %arg2[%dma_wait3A_132, %dma_wait3A_133] : memref<10016x144xf32, #tpu.memory_space<hbm>> -> memref<10016x144xf32, #tpu.memory_space<hbm>>
    tpu.wait_indirect_dma semaphore(%arg12 : memref<!tpu.dma_semaphore, #tpu.memory_space<semaphore_mem>>) src(%dma_wait3A_134 : memref<10016x144xf32, #tpu.memory_space<hbm>>) dst(%dma_wait3A_131 : memref<128x144xf32, #tpu.memory_space<vmem>>)
    %dma_start3A_135 = arith.constant 0 : i32
    %dma_start3A_136 = arith.constant 0 : i32
    %dma_start3A_137 = arith.constant 0 : i32
    %dma_start3A_138 = arith.constant 0 : i32
    %dma_start3A_139 = tpu.memref_slice %arg10[%dma_start3A_135, %dma_start3A_137, %dma_start3A_138] : memref<2x128x144xf32, #tpu.memory_space<vmem>> -> memref<1x128x144xf32, #tpu.memory_space<vmem>>
    %dma_start3A_140 = tpu.memref_squeeze %dma_start3A_139 : memref<1x128x144xf32, #tpu.memory_space<vmem>> -> memref<128x144xf32, #tpu.memory_space<vmem>>
    %dma_start3A_141 = arith.constant 0 : i32
    %dma_start3A_142 = tpu.memref_slice %arg9[%dma_start3A_136, %dma_start3A_141] : memref<2x128xi32, #tpu.memory_space<vmem>> -> memref<1x128xi32, #tpu.memory_space<vmem>>
    %dma_start3A_143 = tpu.memref_squeeze %dma_start3A_142 : memref<1x128xi32, #tpu.memory_space<vmem>> -> memref<128xi32, #tpu.memory_space<vmem>>
    %dma_start3A_144 = arith.constant 0 : i32
    %dma_start3A_145 = arith.constant 0 : i32
    %dma_start3A_146 = tpu.memref_slice %arg11[%dma_start3A_144, %dma_start3A_145] : memref<10240x144xf32, #tpu.memory_space<vmem_shared>> -> memref<10240x144xf32, #tpu.memory_space<vmem_shared>>
    tpu.enqueue_indirect_dma source(%dma_start3A_140 : memref<128x144xf32, #tpu.memory_space<vmem>>) target(%dma_start3A_146 : memref<10240x144xf32, #tpu.memory_space<vmem_shared>>) offsets(%dma_start3A_143 : memref<128xi32, #tpu.memory_space<vmem>>) semaphore(%arg13 : memref<!tpu.dma_semaphore, #tpu.memory_space<semaphore_mem>>) {add = true}
    %dma_wait3A_147 = arith.constant 0 : i32
    %dma_wait3A_148 = arith.constant 0 : i32
    %dma_wait3A_149 = arith.constant 0 : i32
    %dma_wait3A_150 = tpu.memref_slice %arg10[%dma_wait3A_147, %dma_wait3A_148, %dma_wait3A_149] : memref<2x128x144xf32, #tpu.memory_space<vmem>> -> memref<1x128x144xf32, #tpu.memory_space<vmem>>
    %dma_wait3A_151 = tpu.memref_squeeze %dma_wait3A_150 : memref<1x128x144xf32, #tpu.memory_space<vmem>> -> memref<128x144xf32, #tpu.memory_space<vmem>>
    %dma_wait3A_152 = arith.constant 0 : i32
    %dma_wait3A_153 = arith.constant 0 : i32
    %dma_wait3A_154 = tpu.memref_slice %arg2[%dma_wait3A_152, %dma_wait3A_153] : memref<10016x144xf32, #tpu.memory_space<hbm>> -> memref<128x144xf32, #tpu.memory_space<hbm>>
    %dma_wait3A_155 = arith.constant 0 : i32
    %dma_wait3A_156 = arith.constant 0 : i32
    %dma_wait3A_157 = tpu.memref_slice %arg10[%dma_wait3A_147, %dma_wait3A_155, %dma_wait3A_156] : memref<2x128x144xf32, #tpu.memory_space<vmem>> -> memref<1x128x144xf32, #tpu.memory_space<vmem>>
    %dma_wait3A_158 = tpu.memref_squeeze %dma_wait3A_157 : memref<1x128x144xf32, #tpu.memory_space<vmem>> -> memref<128x144xf32, #tpu.memory_space<vmem>>
    %dma_wait3A_159 = arith.constant 0 : i32
    %dma_wait3A_160 = arith.constant 0 : i32
    %dma_wait3A_161 = tpu.memref_slice %arg2[%dma_wait3A_159, %dma_wait3A_160] : memref<10016x144xf32, #tpu.memory_space<hbm>> -> memref<128x144xf32, #tpu.memory_space<hbm>>
    tpu.wait_dma2 semaphore(%arg13 : memref<!tpu.dma_semaphore, #tpu.memory_space<semaphore_mem>>) src(%dma_wait3A_161 : memref<128x144xf32, #tpu.memory_space<hbm>>) dst(%dma_wait3A_158 : memref<128x144xf32, #tpu.memory_space<vmem>>)
    %dma_wait3A_162 = arith.constant 1 : i32
    %dma_wait3A_163 = arith.constant 0 : i32
    %dma_wait3A_164 = arith.constant 0 : i32
    %dma_wait3A_165 = tpu.memref_slice %arg10[%dma_wait3A_162, %dma_wait3A_163, %dma_wait3A_164] : memref<2x128x144xf32, #tpu.memory_space<vmem>> -> memref<1x128x144xf32, #tpu.memory_space<vmem>>
    %dma_wait3A_166 = tpu.memref_squeeze %dma_wait3A_165 : memref<1x128x144xf32, #tpu.memory_space<vmem>> -> memref<128x144xf32, #tpu.memory_space<vmem>>
    %dma_wait3A_167 = arith.constant 0 : i32
    %dma_wait3A_168 = arith.constant 0 : i32
    %dma_wait3A_169 = tpu.memref_slice %arg2[%dma_wait3A_167, %dma_wait3A_168] : memref<10016x144xf32, #tpu.memory_space<hbm>> -> memref<128x144xf32, #tpu.memory_space<hbm>>
    %dma_wait3A_170 = arith.constant 0 : i32
    %dma_wait3A_171 = arith.constant 0 : i32
    %dma_wait3A_172 = tpu.memref_slice %arg10[%dma_wait3A_162, %dma_wait3A_170, %dma_wait3A_171] : memref<2x128x144xf32, #tpu.memory_space<vmem>> -> memref<1x128x144xf32, #tpu.memory_space<vmem>>
    %dma_wait3A_173 = tpu.memref_squeeze %dma_wait3A_172 : memref<1x128x144xf32, #tpu.memory_space<vmem>> -> memref<128x144xf32, #tpu.memory_space<vmem>>
    %dma_wait3A_174 = arith.constant 0 : i32
    %dma_wait3A_175 = arith.constant 0 : i32
    %dma_wait3A_176 = tpu.memref_slice %arg2[%dma_wait3A_174, %dma_wait3A_175] : memref<10016x144xf32, #tpu.memory_space<hbm>> -> memref<128x144xf32, #tpu.memory_space<hbm>>
    tpu.wait_dma2 semaphore(%arg14 : memref<!tpu.dma_semaphore, #tpu.memory_space<semaphore_mem>>) src(%dma_wait3A_176 : memref<128x144xf32, #tpu.memory_space<hbm>>) dst(%dma_wait3A_173 : memref<128x144xf32, #tpu.memory_space<vmem>>)
    %barrier3A_177 = arith.constant 0 : index
    tpu.barrier barrier_id(%barrier3A_177)
    %mul3A_178 = arith.constant 640 : i32
    %mul3A_179 = arith.muli %arg1, %mul3A_178 : i32
    %mul3A_180 = arith.constant 640 : i32
    %mul3A_181 = arith.muli %arg1, %mul3A_180 : i32
    "tpu.region"() ({
      %run_scoped3A_182 = tpu.sem_alloc : memref<!tpu.dma_semaphore, #tpu.memory_space<semaphore_mem>>
      %dma_start3A_183 = arith.constant 0 : i32
      %dma_start3A_184 = tpu.memref_slice %arg6[%arg0, %mul3A_181, %dma_start3A_183] : memref<2x10240x144xf32, #tpu.memory_space<hbm>> -> memref<1x640x144xf32, #tpu.memory_space<hbm>>
      %dma_start3A_185 = tpu.memref_squeeze %dma_start3A_184 : memref<1x640x144xf32, #tpu.memory_space<hbm>> -> memref<640x144xf32, #tpu.memory_space<hbm>>
      %dma_start3A_186 = arith.constant 0 : i32
      %dma_start3A_187 = tpu.memref_slice %arg11[%mul3A_179, %dma_start3A_186] : memref<10240x144xf32, #tpu.memory_space<vmem_shared>> -> memref<640x144xf32, #tpu.memory_space<vmem_shared>>
      tpu.enqueue_dma source(%dma_start3A_187 : memref<640x144xf32, #tpu.memory_space<vmem_shared>>) target(%dma_start3A_185 : memref<640x144xf32, #tpu.memory_space<hbm>>) target_semaphore(%run_scoped3A_182 : memref<!tpu.dma_semaphore, #tpu.memory_space<semaphore_mem>>)
      %dma_wait3A_188 = arith.constant 0 : i32
      %dma_wait3A_189 = tpu.memref_slice %arg6[%arg0, %mul3A_181, %dma_wait3A_188] : memref<2x10240x144xf32, #tpu.memory_space<hbm>> -> memref<1x640x144xf32, #tpu.memory_space<hbm>>
      %dma_wait3A_190 = tpu.memref_squeeze %dma_wait3A_189 : memref<1x640x144xf32, #tpu.memory_space<hbm>> -> memref<640x144xf32, #tpu.memory_space<hbm>>
      %dma_wait3A_191 = arith.constant 0 : i32
      %dma_wait3A_192 = tpu.memref_slice %arg11[%mul3A_179, %dma_wait3A_191] : memref<10240x144xf32, #tpu.memory_space<vmem_shared>> -> memref<640x144xf32, #tpu.memory_space<vmem_shared>>
      tpu.wait_dma2 semaphore(%run_scoped3A_182 : memref<!tpu.dma_semaphore, #tpu.memory_space<semaphore_mem>>) src(%dma_wait3A_192 : memref<640x144xf32, #tpu.memory_space<vmem_shared>>) dst(%dma_wait3A_190 : memref<640x144xf32, #tpu.memory_space<hbm>>)
      tpu.yield
    }) : () -> ()
    return
  }
}

module attributes {stable_mosaic.version = 14 : i64} {
  func.func @_tc_finish_body(%arg0: i32, %arg1: memref<1000x144xf32, #tpu.memory_space<vmem>>, %arg2: memref<1000x144xf32, #tpu.memory_space<vmem>>, %arg3: memref<1000x128xf32, #tpu.memory_space<vmem>>, %arg4: memref<128x128xf32, #tpu.memory_space<vmem>>, %arg5: memref<1000x128xf32, #tpu.memory_space<vmem>>) attributes {dimension_semantics = [#tpu.dimension_semantics<arbitrary>], iteration_bounds = array<i64: 10>, scalar_prefetch = 0 : i64, scratch_operands = 0 : i64, tpu.core_type = #tpu.core_type<tc>, window_params = [{transform_indices = @transform_0, window_bounds = array<i64: 1000, 144>}, {transform_indices = @transform_1, window_bounds = array<i64: 1000, 144>}, {transform_indices = @transform_2, window_bounds = array<i64: 1000, 128>}, {pipeline_mode = #tpu.pipeline_mode<synchronous>, transform_indices = @transform_3, window_bounds = array<i64: 128, 128>}, {transform_indices = @transform_4, window_bounds = array<i64: 1000, 128>}]} {
    %get3A = arith.constant 0 : index
    %get3A_0 = arith.constant 0 : index
    %get3A_1 = vector.load %arg1[%get3A, %get3A_0] : memref<1000x144xf32, #tpu.memory_space<vmem>>, vector<1000x144xf32>
    %get3A_2 = arith.constant 0 : index
    %get3A_3 = arith.constant 0 : index
    %get3A_4 = vector.load %arg2[%get3A_2, %get3A_3] : memref<1000x144xf32, #tpu.memory_space<vmem>>, vector<1000x144xf32>
    %add3A = arith.addf %get3A_1, %get3A_4 : vector<1000x144xf32>
    %slice3A = vector.extract_strided_slice %add3A {offsets = [0, 0], sizes = [1000, 128], strides = [1, 1]} : vector<1000x144xf32> to vector<1000x128xf32>
    %slice3A_5 = vector.extract_strided_slice %add3A {offsets = [0, 128], sizes = [1000, 1], strides = [1, 1]} : vector<1000x144xf32> to vector<1000x1xf32>
    %max3A = arith.constant 1.000000e+00 : f32
    %max3A_6 = vector.broadcast %max3A : f32 to vector<1000x1xf32>
    %max3A_7 = arith.maximumf %slice3A_5, %max3A_6 : vector<1000x1xf32>
    %div3A = vector.broadcast %max3A_7 : vector<1000x1xf32> to vector<1000x128xf32>
    %div3A_8 = arith.divf %slice3A, %div3A : vector<1000x128xf32>
    %get3A_9 = arith.constant 0 : index
    %get3A_10 = arith.constant 0 : index
    %get3A_11 = vector.load %arg4[%get3A_9, %get3A_10] : memref<128x128xf32, #tpu.memory_space<vmem>>, vector<128x128xf32>
    %dot_general3A = arith.constant dense<0.000000e+00> : vector<1000x128xf32>
    %dot_general3A_12 = tpu.matmul %div3A_8, %get3A_11, %dot_general3A {dimension_numbers = #tpu.dot_dimension_numbers<[1], [0], [0], [1], [0, 0, 1, 1], [], []>, transpose_lhs_hint = false} : vector<1000x128xf32>, vector<128x128xf32>, vector<1000x128xf32> -> vector<1000x128xf32>
    %max3A_13 = arith.constant 0.000000e+00 : f32
    %max3A_14 = vector.broadcast %max3A_13 : f32 to vector<1000x128xf32>
    %max3A_15 = arith.maximumf %dot_general3A_12, %max3A_14 : vector<1000x128xf32>
    %get3A_16 = arith.constant 0 : index
    %get3A_17 = arith.constant 0 : index
    %get3A_18 = vector.load %arg3[%get3A_16, %get3A_17] : memref<1000x128xf32, #tpu.memory_space<vmem>>, vector<1000x128xf32>
    %add3A_19 = arith.addf %max3A_15, %get3A_18 : vector<1000x128xf32>
    %swap3A = arith.constant 0 : index
    %swap3A_20 = arith.constant 0 : index
    %swap3A_21 = vector.load %arg5[%swap3A, %swap3A_20] : memref<1000x128xf32, #tpu.memory_space<vmem>>, vector<1000x128xf32>
    tpu.vector_store %arg5[%swap3A, %swap3A_20], %add3A_19 {strides = array<i32>} : memref<1000x128xf32, #tpu.memory_space<vmem>>, vector<1000x128xf32>,
    return
  }
  func.func @transform_0(%arg0: i32) -> (i32, i32) {
    %c0_i32 = arith.constant 0 : i32
    %c0_i32_0 = arith.constant 0 : i32
    return %arg0, %c0_i32 : i32, i32
  }
  func.func @transform_1(%arg0: i32) -> (i32, i32) {
    %c0_i32 = arith.constant 0 : i32
    %c0_i32_0 = arith.constant 0 : i32
    return %arg0, %c0_i32 : i32, i32
  }
  func.func @transform_2(%arg0: i32) -> (i32, i32) {
    %c0_i32 = arith.constant 0 : i32
    %c0_i32_0 = arith.constant 0 : i32
    return %arg0, %c0_i32 : i32, i32
  }
  func.func @transform_3(%arg0: i32) -> (i32, i32) {
    %c0_i32 = arith.constant 0 : i32
    %c0_i32_0 = arith.constant 0 : i32
    %c0_i32_1 = arith.constant 0 : i32
    return %c0_i32, %c0_i32_0 : i32, i32
  }
  func.func @transform_4(%arg0: i32) -> (i32, i32) {
    %c0_i32 = arith.constant 0 : i32
    %c0_i32_0 = arith.constant 0 : i32
    return %arg0, %c0_i32 : i32, i32
  }
}

</mosaic_0001>

<sc_bundles>
// kernel: kernel.4.cloned.1.call-start
scs
__scs_entry_jumppad:
0x0: {  	(pc) =	sbr.rel $0x88, $3  }
0x1: {  	(tag) =	ssettag $0x0;
	lr =	simm.s32 $0x1  }
0x2: {  	[smem:$0x3F9E] =	sst lr;
	_ =	strace $0xD0000000  }
0x3: {  	_ = 	snop  }
0x4: {  	_ = 	snop  }
0x5: {  	_ = 	snop  }
0x6: {  	_ = 	snop  }
0x7: {  	_ = 	snop  }
__scs_overlays_trampoline_lowered:
0x8: {  	[smem:$0x3FAD] =	sst s0  }
0x9: {  	[smem:$0x3FAE] =	sst s1  }
0xa: {  	[smem:$0x3FAF] =	sst s2  }
0xb: {  	[smem:$0x3FB0] =	sst s3  }
0xc: {  	[smem:$0x3FB1] =	sst s4  }
0xd: {  	[smem:$0x3FB2] =	sst s5  }
0xe: {  	[smem:$0x3FB3] =	sst s6  }
0xf: {  	[smem:$0x3FB4] =	sst s7  }
0x10: {  	[smem:$0x3FB5] =	sst s8  }
0x11: {  	[smem:$0x3FB6] =	sst s9;
	s0 =	simm.s32 @!p0 $0x0  }
0x12: {  	s1 =	sld [smem:$0x3F9C];
	s0 =	simm.s32 @p0 $0x1  }
0x13: {  	[smem:$0x3FB7] =	sst s0;
	s0 =	simm.s32 @!p1 $0x0  }
0x14: {  	s2 =	sld [smem:$0x3F9B];
	s0 =	simm.s32 @p1 $0x1  }
0x15: {  	[smem:$0x3FB8] =	sst s0;
	s0 =	simm.s32 @!p2 $0x0  }
0x16: {  	s3 =	sld [smem:$0x3FDB];
	s0 =	simm.s32 @p2 $0x1  }
0x17: {  	s4 =	simm.s32 $0x1BF5;
	[smem:$0x3FBA] =	sst s0  }
0x18: {  	s0 =	sld [smem:$0x3F9D];
	_ =	swait.ge [sflag:s4], $0x0  }
0x19: {  	s7 =	sld [smem:$0x3F9E]  }
0x1a: {  	s8 =	sadd.s32 $0xFFFFE003, lr  }
0x1b: {  	s9 =	sadd.s32 $0xFFFFFEF7, lr;
	s5 =	simm.s32 $0xFFFFFFFF;
	p2 =	slt.u32 s8, $0xFFFFF086  }
0x1c: {  	p1 =	slt.u32 s9, $0xF7A;
	s5 =	simm.s32 @!p2 $0x0  }
0x1d: {  	s5 =	simm.s32 @p1 $0x1;
	p0 =	seq.s32 s7, s2  }
0x1e: {  	s7 =	smul.u32 @!p0 $0xF7A, s2;
	p2 =	seq.s32 @!p0 s5, $0x0  }
0x1f: {  	s9 =	smul.u32 $0xF7A, s1;
	s8 =	simm.s32 @!p0 $0x1BF5;
	p2 =	por !p2, p0  }
0x20: {  	[sflag:s8] =	ssyncset.s32 @!p0 $0xFFFFF086;
	s6 =	sadd.s32 @!p0 s3, s7;
	s7 =	simm.s32 @!p0 $0x108  }
0x21: {  	s3 =	sadd.s32 s3, s9;
	s6 =	sadd.s32 @!p0 $0x88, s6;
	s7 =	simm.s32 @p2 $0x1082  }
0x22: {  	[simem:s7], [sflag:s8] =	dma.local @!p0 [hbm:s6], $0xF7A  }
0x23: {  	s9 =	sor.u32 $0xD0000000, s2;
	s6 =	simm.s32 $0x108;
	_ =	swait.ge @!p0 [sflag:s8], $0x0  }
0x24: {  	s3 =	sadd.s32 $0x88, s3;
	s6 =	simm.s32 @!p1 $0x1082;
	[sflag:s4] =	ssyncset.s32 $0xFFFFF086  }
0x25: {  	[simem:s6], [sflag:s4] =	dma.local [hbm:s3], $0xF7A  }
0x26: {  	[smem:$0x3F9E] =	sst s1;
	(tag) =	ssettag s2;
	_ =	strace s9  }
0x27: {  	s1 =	sld [smem:$0x3FAE]  }
0x28: {  	s2 =	sld [smem:$0x3FAF]  }
0x29: {  	s4 =	sld [smem:$0x3FB1]  }
0x2a: {  	p0 =	seq.s32 s5, $0x0;
	s5 =	sld [smem:$0x3FB2]  }
0x2b: {  	s6 =	sld [smem:$0x3FB3]  }
0x2c: {  	s7 =	sld [smem:$0x3FB4]  }
0x2d: {  	s3 =	simm.s32 $0x108;
	s8 =	sld [smem:$0x3FB5]  }
0x2e: {  	s3 =	simm.s32 @!p0 $0x1082;
	s9 =	sld [smem:$0x3FB6]  }
0x2f: {  	lr =	sadd.s32 s0, s3;
	s0 =	sld [smem:$0x3FAD]  }
0x30: {  	s3 =	sld [smem:$0x3FB0]  }
0x31: {  	[smem:$0x3FB9] =	sst s10  }
0x32: {  	s10 =	sld [smem:$0x3FB7];
	_ =	sdelay $0x3  }
0x33: {  	p0 =	seq.s32 s10, $0x1;
	s10 =	sld [smem:$0x3FB9];
	_ =	sdelay $0x3  }
0x34: {  	[smem:$0x3FB9] =	sst s10  }
0x35: {  	s10 =	sld [smem:$0x3FB8];
	_ =	sdelay $0x3  }
0x36: {  	p1 =	seq.s32 s10, $0x1;
	s10 =	sld [smem:$0x3FB9];
	_ =	sdelay $0x3  }
0x37: {  	[smem:$0x3FB9] =	sst s10  }
0x38: {  	s10 =	sld [smem:$0x3FBA]  }
0x39: {  	_ = 	snop;
	(pc) =	sbr.ind lr, $3  }
0x3a: {  	_ = 	snop  }
0x3b: {  	_ = 	snop  }
0x3c: {  	p2 =	seq.s32 s10, $0x1;
	s10 =	sld [smem:$0x3FB9]  }
0x3d: {  	_ =	shalt  }
0x3e: {  	_ =	shalt  }
0x3f: {  	_ =	shalt  }
0x40: {  	_ =	shalt  }
0x41: {  	_ =	shalt  }
0x42: {  	_ =	shalt  }
0x43: {  	_ =	shalt  }
0x44: {  	_ =	shalt  }
0x45: {  	_ =	shalt  }
0x46: {  	_ =	shalt  }
0x47: {  	_ =	shalt  }
0x48: {  	_ =	shalt  }
0x49: {  	_ =	shalt  }
0x4a: {  	_ =	shalt  }
0x4b: {  	_ =	shalt  }
0x4c: {  	_ =	shalt  }
0x4d: {  	_ =	shalt  }
0x4e: {  	_ =	shalt  }
0x4f: {  	_ =	shalt  }
0x50: {  	_ =	shalt  }
0x51: {  	_ =	shalt  }
0x52: {  	_ =	shalt  }
0x53: {  	_ =	shalt  }
0x54: {  	_ =	shalt  }
0x55: {  	_ =	shalt  }
0x56: {  	_ =	shalt  }
0x57: {  	_ =	shalt  }
0x58: {  	_ =	shalt  }
0x59: {  	_ =	shalt  }
0x5a: {  	_ =	shalt  }
0x5b: {  	_ =	shalt  }
0x5c: {  	_ =	shalt  }
0x5d: {  	_ =	shalt  }
0x5e: {  	_ =	shalt  }
0x5f: {  	_ =	shalt  }
0x60: {  	_ =	shalt  }
0x61: {  	_ =	shalt  }
0x62: {  	_ =	shalt  }
0x63: {  	_ =	shalt  }
0x64: {  	_ =	shalt  }
0x65: {  	_ =	shalt  }
0x66: {  	_ =	shalt  }
0x67: {  	_ =	shalt  }
0x68: {  	_ =	shalt  }
0x69: {  	_ =	shalt  }
0x6a: {  	_ =	shalt  }
0x6b: {  	_ =	shalt  }
0x6c: {  	_ =	shalt  }
0x6d: {  	_ =	shalt  }
0x6e: {  	_ =	shalt  }
0x6f: {  	_ =	shalt  }
0x70: {  	_ =	shalt  }
0x71: {  	_ =	shalt  }
0x72: {  	_ =	shalt  }
0x73: {  	_ =	shalt  }
0x74: {  	_ =	shalt  }
0x75: {  	_ =	shalt  }
0x76: {  	_ =	shalt  }
0x77: {  	_ =	shalt  }
0x78: {  	_ =	shalt  }
0x79: {  	_ =	shalt  }
0x7a: {  	_ =	shalt  }
0x7b: {  	_ =	shalt  }
0x7c: {  	_ =	shalt  }
0x7d: {  	_ =	shalt  }
0x7e: {  	_ =	shalt  }
0x7f: {  	_ =	shalt  }
0x80: {  	_ =	shalt  }
0x81: {  	_ =	shalt  }
0x82: {  	_ =	shalt  }
0x83: {  	_ =	shalt  }
0x84: {  	_ =	shalt  }
0x85: {  	_ =	shalt  }
0x86: {  	_ =	shalt  }
0x87: {  	_ =	shalt  }
.Lfunc_end0:
.L_simem_size_0:
called_computation_lowered:
.L_overlay_start_0:
0x88: {  	s2 =	sld [smem:$0x3FD9]  }
0x89: {  	s3 =	sld [smem:$0x3FFE];
	_ =	sdelay $0x1  }
0x8a: {  	s1 =	srdreg.scid  }
0x8b: {  	s0 =	sand.u32 $0x1, s1  }
0x8c: {  	s17 =	sshll.u32 s0, $0xA;
	s2 =	sadd.s32 s3, s2  }
0x8d: {  	s2 =	sadd.s32 s2, s17  }
0x8e: {  	[smem:$0x3FC5] =	sst s2  }
0x8f: {  	_ = 	snop  }
0x90: {  	s2 =	sld [smem:$0x3FD0];
	(tm) =	ssettm $0x1  }
0x91: {  	s18 =	sld [smem:$0x3FFB];
	_ =	sdelay $0x3  }
0x92: {  	_ =	strace s18  }
0x93: {  	s3 =	sld [smem:$0x3FFC];
	_ =	sdelay $0x3  }
0x94: {  	_ =	strace s3  }
0x95: {  	s3 =	sld [smem:$0x3FFD];
	_ =	sdelay $0x3  }
0x96: {  	_ =	strace s3  }
0x97: {  	_ =	strace $0x8FFFFFFF  }
0x98: {  	s19 =	sld [smem:$0x3FDB];
	_ =	sdelay $0x1  }
0x99: {  	s4 =	simm.s32 $_scs_section_size  }
0x9a: {  	s5 =	simm.s32 $_size__tile_overlayer_lowered;
	s6 =	simm.s32 $_tile_overlayer_lowered  }
0x9b: {  	s22 =	simm.s32 $0x1BFF;
	s21 =	sshll.u32 s6, $0x1;
	s3 =	sadd.s32 s4, s19  }
0x9c: {  	s7 =	simm.s32 $0x0;
	s20 =	sshll.u32 s5, $0x1;
	s5 =	sadd.s32 s21, s3  }
0x9d: {  	[timem:s7], [sflag:s22] =	dma.local [hbm:s5], s20  }
0x9e: {  	_ =	swait.ge [sflag:s22], s20  }
0x9f: {  	s4 =	ssub.s32 $0x0, s20;
	[sflag:s22] =	ssyncset.done $0x0  }
0xa0: {  	[sflag:s22] =	ssyncadd.s32 s4;
	_ =	sdelay $0x1  }
0xa1: {  	s23 =	simm.s32 $0x1B8B  }
0xa2: {  	_ =	swait.ge [sflag:s23], $0x1  }
0xa3: {  	[sflag:s23] =	ssyncset.done $0x0  }
0xa4: {  	s25 =	simm.s32 $0x1B8E;
	s24 =	sld [smem:$0x3FFE];
	[sflag:s23] =	ssyncadd.s32 $0xFFFFFFFF  }
0xa5: {  	s26 =	simm.s32 $execute0_lowered;
	[smem:$0x3FD2] =	sst s25  }
0xa6: {  	s5 =	sshll.u32 s26, $0x1;
	_ =	strace $0x80000046;
	[dreg:$0x1] =	wrdreg $0xFFFFFFFF  }
0xa7: {  	s28 =	simm.s32 $_size_execute0_lowered;
	s3 =	sadd.s32 s3, s5;
	[dreg:$0x0] =	wrdreg $0x0  }
0xa8: {  	s5 =	sshll.u32 s28, $0x1;
	[dreg:$0x2] =	wrdreg s3  }
0xa9: {  	[dreg:$0x3] =	wrdreg s5  }
0xaa: {  	[dreg:$0x4] =	wrdreg $0xC0  }
0xab: {  	_ =	task [dreg:s7], $0x5FFFF  }
0xac: {  	[dreg:$0x1] =	wrdreg $0xFFFFFFFF  }
0xad: {  	[dreg:$0x0] =	wrdreg $0x60  }
0xae: {  	[dreg:$0x2] =	wrdreg s24  }
0xaf: {  	[dreg:$0x3] =	wrdreg s2  }
0xb0: {  	[dreg:$0x4] =	wrdreg $0x92000  }
0xb1: {  	[dreg:$0x5] =	wrdreg $0x9  }
0xb2: {  	_ =	task.clear_ibuf [dreg:s7], $0x6FFFF;
	_ =	strace $0x90000046  }
0xb3: {  	s29 =	simm.s32 $0x9;
	_ =	strace $0x80000048  }
0xb4: {  	_ =	swait.ge [sflag:s29], $0x1  }
0xb5: {  	[sflag:s29] =	ssyncadd.s32 $0xFFFFFFFF  }
0xb6: {  	_ =	strace $0x90000048  }
0xb7: {  	_ =	sfence  }
0xb8: {  	s30 =	sld [smem:$0x0];
	_ =	sdelay $0x2  }
0xb9: {  	s31 =	sshll.u32 s1, $0xD;
	s1 =	sshrl.u32 s1, $0x2  }
0xba: {  	s3 =	sand.u32 $0x4000, s31;
	s1 =	sadd.s32 s1, s30  }
0xbb: {  	s0 =	sor.u32 s3, s0;
	s1 =	sshll.u32 s1, $0x11  }
0xbc: {  	s0 =	sor.u32 s1, s0  }
0xbd: {  	s0 =	sadd.s32 $0x8F2B, s0  }
0xbe: {  	[sflag:s0] =	ssyncadd.remote.s32 $0x1  }
0xbf: {  	_ =	sfence.sel $0xFFFF  }
0xc0: {  	[dreg:$0x0] =	wrdreg $0xFFFFFFFF;
	(pc) =	sbr.abs _section_cstart, $3  }
0xc1: {  	[dreg:$0x1] =	wrdreg $0xFFFFFFFF  }
0xc2: {  	_ =	task.clear_ibuf [dreg:s7], $0x2FFFF;
	_ =	strace $0x9FFFFFFF  }
0xc3: {  	(tm) =	ssettm $0x7FFFFFFF  }
tec
execute0_lowered:
.L_overlay_start_1:
0x0: {  	(tag) =	ssettag $0x1  }
0x1: {  	s1 =	rddreg [dreg:$0x0]  }
0x2: {  	s3 =	rddreg [dreg:$0x1]  }
0x3: {  	s4 =	rddreg [dreg:$0x2]  }
0x4: {  	s0 =	srdreg.scid;
	s13 =	stileid.u32;
	s5 =	simm.s32 $0x0  }
0x5: {  	s28 =	simm.s32 $0x4A00;
	s29 =	simm.s32 $0x2;
	s30 =	simm.s32 $0x3  }
0x6: {  	s31 =	simm.s32 $0x0;
	s0 =	sand.u32 $0x1, s0;
	s2 =	smul.u32 $0x16800, s13  }
0x7: {  	[smem:$0x7FF] =	sst s5;
	s6 =	sadd.s32 $0x2C200, s1;
	s8 =	smul.u32 $0x9E, s13  }
0x8: {  	s11 =	sadd.s32 $0x36000, s1;
	s23 =	sshll.u32 s13, $0x6;
	s13 =	simm.s32 $0x66  }
0x9: {  	s7 =	smul.u32 $0x168000, s0;
	_ =	strace $0x80000047;
	s9 =	ssub.s32 $0x2, s0  }
0xa: {  	s10 =	smul.u32 $0x67, s0;
	[dreg:$0x4] =	wrdreg s11;
	p0 =	seq.s32 s0, $0x0  }
0xb: {  	s21 =	sshrl.u32 s9, $0x1;
	s22 =	sadd.s32 s2, s4;
	s13 =	simm.s32 @!p0 $0x36  }
0xc: {  	s7 =	sadd.s32 s2, s7;
	s16 =	ssub.s32 s9, s21;
	s12 =	sadd.s32 s10, s8  }
0xd: {  	s8 =	sor.u32 $0x1C04, s23;
	s17 =	sshrl.u32 s13, $0x1;
	s20 =	sshrl.u32 s22, $0x3  }
0xe: {  	s21 =	simm.s32 $0x4;
	s22 =	simm.s32 $0x100;
	s23 =	simm.s32 $0x80  }
0xf: {  	s7 =	sshrl.u32 s7, $0x3;
	s24 =	sshll.u32 s12, $0x4;
	s15 =	sadd.s32 s13, s12  }
0x10: {  	s16 =	smax.u32 s16, $0x1;
	s17 =	sadd.s32 $0xFFFFFFFF, s17;
	s7 =	sadd.s32 s7, s1  }
0x11: {  	s25 =	sadd.s32 s3, s24;
	s14 =	sadd.s32 $0x10, s24;
	s10 =	sadd.s32 s6, s24  }
0x12: {  	s26 =	sshll.u32 s15, $0x4;
	s18 =	sadd.s32 $0x30, s24;
	s19 =	sadd.s32 $0x20, s24  }
0x13: {  	s24 =	simm.s32 $0x200;
	[dreg:$0x5] =	wrdreg s25;
	s11 =	sadd.s32 s3, s14  }
0x14: {  	s12 =	sadd.s32 s6, s14;
	s13 =	sadd.s32 s3, s26;
	s14 =	sadd.s32 s6, s26  }
0x15: {  	s15 =	sadd.s32 $0x38E00, s7;
	s25 =	simm.s32 $0x1;
	s26 =	simm.s32 $0x180  }
.LBB2_1:
0x16: {  	s0 =	rddreg [dreg:$0x4]  }
0x17: {  	[spmem:s20], [sflag:s8] =	dma.local [hbm:s0], $0x2D00  }
0x18: {  	_ =	swait.ge [sflag:s21], $0x2D00  }
0x19: {  	[sflag:s21] =	ssyncset.done $0x0  }
0x1a: {  	[sflag:s21] =	ssyncadd.s32 $0xFFFFD300  }
0x1b: {  	[bflag:$0x0] =	sbarrier.arrive $0xFFFF  }
0x1c: {  	s7 =	rddreg [dreg:$0x5]  }
0x1d: {  	[tilespmem:s5], [sflag:$0x4] =	stream.linear.gather [hbm4b:s7+s5], $0x80, $0x38;
	[tilespmem:$0x1FA00] =	vst v63  }
0x1e: {  	_ =	swait.ge [sflag:s21], $0x80  }
0x1f: {  	[sflag:s21] =	ssyncset.done $0x0  }
0x20: {  	[sflag:s21] =	ssyncadd.s32 $0xFFFFFF80  }
0x21: {  	[tilespmem:s22], [sflag:$0x4] =	stream.linear.gather [hbm4b:s10+s5], $0x80, $0x38;
	[tilespmem:$0x1FA00] =	vst v63  }
0x22: {  	_ =	swait.ge [sflag:s21], $0x80  }
0x23: {  	[sflag:s21] =	ssyncset.done $0x0  }
0x24: {  	[sflag:s21] =	ssyncadd.s32 $0xFFFFFF80  }
0x25: {  	[tilespmem:s24], [sflag:$0x1] =	stream.indirect.gather [hbm4b:s1+s23], $0x90, s5, s23, $0xb8;
	[tilespmem:$0x1FA00] =	vst v63  }
0x26: {  	_ =	swait.ge [sflag:s25], $0x4800  }
0x27: {  	[sflag:s25] =	ssyncset.done $0x0  }
0x28: {  	[sflag:s25] =	ssyncadd.s32 $0xFFFFB800  }
0x29: {  	[spmem:s4] =	stream.indirect.scatter.add.f32 [tilespmem:s24], [sflag:$0x2], $0x90, s22, s23, $0xb8;
	[tilespmem:$0x1FA00] =	vst v63  }
0x2a: {  	_ = 	snop  }
0x2b: {  	[tilespmem:s23], [sflag:$0x4] =	stream.linear.gather [hbm4b:s11+s5], $0x80, $0x38;
	[tilespmem:$0x1FA00] =	vst v63  }
0x2c: {  	_ =	swait.ge [sflag:s21], $0x80  }
0x2d: {  	[sflag:s21] =	ssyncset.done $0x0  }
0x2e: {  	[sflag:s21] =	ssyncadd.s32 $0xFFFFFF80  }
0x2f: {  	[tilespmem:s26], [sflag:$0x4] =	stream.linear.gather [hbm4b:s12+s5], $0x80, $0x38;
	[tilespmem:$0x1FA00] =	vst v63  }
0x30: {  	_ =	swait.ge [sflag:s21], $0x80  }
0x31: {  	[sflag:s21] =	ssyncset.done $0x0  }
0x32: {  	[sflag:s21] =	ssyncadd.s32 $0xFFFFFF80  }
0x33: {  	[tilespmem:s28], [sflag:$0x1] =	stream.indirect.gather [hbm4b:s1+s23], $0x90, s23, s23, $0xb8;
	[tilespmem:$0x1FA00] =	vst v63  }
0x34: {  	_ =	swait.ge [sflag:s25], $0x4800  }
0x35: {  	[sflag:s25] =	ssyncset.done $0x0  }
0x36: {  	[sflag:s25] =	ssyncadd.s32 $0xFFFFB800  }
0x37: {  	[spmem:s4] =	stream.indirect.scatter.add.f32 [tilespmem:s28], [sflag:$0x3], $0x90, s26, s23, $0xb8;
	[tilespmem:$0x1FA00] =	vst v63  }
0x38: {  	_ =	swait.ge [sflag:s29], $0x4800  }
0x39: {  	[sflag:s29] =	ssyncset.done $0x0  }
0x3a: {  	s9 =	sadd.s32 s19, s3;
	[sflag:s29] =	ssyncadd.s32 $0xFFFFB800  }
0x3b: {  	[tilespmem:s5], [sflag:$0x4] =	stream.linear.gather [hbm4b:s9+s5], $0x80, $0x38;
	[tilespmem:$0x1FA00] =	vst v63  }
0x3c: {  	_ =	swait.ge [sflag:s21], $0x80  }
0x3d: {  	[sflag:s21] =	ssyncset.done $0x0  }
0x3e: {  	s2 =	sadd.s32 s19, s6;
	[sflag:s21] =	ssyncadd.s32 $0xFFFFFF80  }
0x3f: {  	[tilespmem:s22], [sflag:$0x4] =	stream.linear.gather [hbm4b:s2+s5], $0x80, $0x38;
	[tilespmem:$0x1FA00] =	vst v63  }
0x40: {  	_ =	swait.ge [sflag:s21], $0x80  }
0x41: {  	[sflag:s21] =	ssyncset.done $0x0  }
0x42: {  	[sflag:s21] =	ssyncadd.s32 $0xFFFFFF80  }
0x43: {  	[tilespmem:s24], [sflag:$0x1] =	stream.indirect.gather [hbm4b:s1+s23], $0x90, s5, s23, $0xb8;
	[tilespmem:$0x1FA00] =	vst v63  }
0x44: {  	_ =	swait.ge [sflag:s25], $0x4800  }
0x45: {  	[sflag:s25] =	ssyncset.done $0x0  }
0x46: {  	[sflag:s25] =	ssyncadd.s32 $0xFFFFB800  }
0x47: {  	[spmem:s4] =	stream.indirect.scatter.add.f32 [tilespmem:s24], [sflag:$0x2], $0x90, s22, s23, $0xb8;
	[tilespmem:$0x1FA00] =	vst v63  }
0x48: {  	_ =	swait.ge [sflag:s30], $0x4800  }
0x49: {  	[sflag:s30] =	ssyncset.done $0x0  }
0x4a: {  	s7 =	sadd.s32 s18, s3;
	[sflag:s30] =	ssyncadd.s32 $0xFFFFB800  }
0x4b: {  	[tilespmem:s23], [sflag:$0x4] =	stream.linear.gather [hbm4b:s7+s5], $0x80, $0x38;
	[tilespmem:$0x1FA00] =	vst v63  }
0x4c: {  	_ =	swait.ge [sflag:s21], $0x80  }
0x4d: {  	[sflag:s21] =	ssyncset.done $0x0  }
0x4e: {  	s9 =	sadd.s32 s18, s6;
	[sflag:s21] =	ssyncadd.s32 $0xFFFFFF80  }
0x4f: {  	[tilespmem:s26], [sflag:$0x4] =	stream.linear.gather [hbm4b:s9+s5], $0x80, $0x38;
	[tilespmem:$0x1FA00] =	vst v63  }
0x50: {  	_ =	swait.ge [sflag:s21], $0x80  }
0x51: {  	p0 =	sne.s32 s17, $0x1;
	[sflag:s21] =	ssyncset.done $0x0  }
.Ltmp0:
0x52: {  	[sflag:s21] =	ssyncadd.s32 $0xFFFFFF80;
	(pc) =	sbr.rel @!p0 .LBB2_3-.Ltmp0, $4  }
0x53: {  	[tilespmem:s28], [sflag:$0x1] =	stream.indirect.gather [hbm4b:s1+s23], $0x90, s23, s23, $0xb8;
	[tilespmem:$0x1FA00] =	vst v63  }
0x54: {  	_ =	swait.ge [sflag:s25], $0x4800  }
0x55: {  	s0 =	sadd.s32 $0xFFFFFFFF, s17;
	[sflag:s25] =	ssyncset.done $0x0  }
0x56: {  	s2 =	sadd.s32 $0x20, s18;
	s7 =	sadd.s32 $0x20, s19;
	[sflag:s25] =	ssyncadd.s32 $0xFFFFB800  }
.LBB2_2:
0x57: {  	[spmem:s4] =	stream.indirect.scatter.add.f32 [tilespmem:s28], [sflag:$0x3], $0x90, s26, s23, $0xb8;
	[tilespmem:$0x1FA00] =	vst v63  }
0x58: {  	p0 =	sne.s32 s0, $0x1;
	s0 =	sadd.s32 $0xFFFFFFFF, s0;
	_ =	swait.ge [sflag:s29], $0x4800  }
0x59: {  	[sflag:s29] =	ssyncset.done $0x0  }
0x5a: {  	s9 =	sadd.s32 s7, s3;
	[sflag:s29] =	ssyncadd.s32 $0xFFFFB800  }
0x5b: {  	[tilespmem:s5], [sflag:$0x4] =	stream.linear.gather [hbm4b:s9+s5], $0x80, $0x38;
	[tilespmem:$0x1FA00] =	vst v63  }
0x5c: {  	_ =	swait.ge [sflag:s21], $0x80  }
0x5d: {  	[sflag:s21] =	ssyncset.done $0x0  }
0x5e: {  	s9 =	sadd.s32 s7, s6;
	[sflag:s21] =	ssyncadd.s32 $0xFFFFFF80  }
0x5f: {  	[tilespmem:s22], [sflag:$0x4] =	stream.linear.gather [hbm4b:s9+s5], $0x80, $0x38;
	[tilespmem:$0x1FA00] =	vst v63  }
0x60: {  	_ =	swait.ge [sflag:s21], $0x80  }
0x61: {  	[sflag:s21] =	ssyncset.done $0x0  }
0x62: {  	[sflag:s21] =	ssyncadd.s32 $0xFFFFFF80  }
0x63: {  	[tilespmem:s24], [sflag:$0x1] =	stream.indirect.gather [hbm4b:s1+s23], $0x90, s5, s23, $0xb8;
	[tilespmem:$0x1FA00] =	vst v63  }
0x64: {  	_ =	swait.ge [sflag:s25], $0x4800  }
0x65: {  	[sflag:s25] =	ssyncset.done $0x0  }
0x66: {  	[sflag:s25] =	ssyncadd.s32 $0xFFFFB800  }
0x67: {  	[spmem:s4] =	stream.indirect.scatter.add.f32 [tilespmem:s24], [sflag:$0x2], $0x90, s22, s23, $0xb8;
	[tilespmem:$0x1FA00] =	vst v63  }
0x68: {  	_ =	swait.ge [sflag:s30], $0x4800  }
0x69: {  	[sflag:s30] =	ssyncset.done $0x0  }
0x6a: {  	s9 =	sadd.s32 s2, s3;
	[sflag:s30] =	ssyncadd.s32 $0xFFFFB800  }
0x6b: {  	[tilespmem:s23], [sflag:$0x4] =	stream.linear.gather [hbm4b:s9+s5], $0x80, $0x38;
	[tilespmem:$0x1FA00] =	vst v63  }
0x6c: {  	_ =	swait.ge [sflag:s21], $0x80  }
0x6d: {  	[sflag:s21] =	ssyncset.done $0x0  }
0x6e: {  	s9 =	sadd.s32 s2, s6;
	[sflag:s21] =	ssyncadd.s32 $0xFFFFFF80  }
0x6f: {  	[tilespmem:s26], [sflag:$0x4] =	stream.linear.gather [hbm4b:s9+s5], $0x80, $0x38;
	[tilespmem:$0x1FA00] =	vst v63  }
0x70: {  	_ =	swait.ge [sflag:s21], $0x80  }
0x71: {  	[sflag:s21] =	ssyncset.done $0x0  }
.Ltmp1:
0x72: {  	[sflag:s21] =	ssyncadd.s32 $0xFFFFFF80;
	(pc) =	sbr.rel @p0 .LBB2_2-.Ltmp1, $4  }
0x73: {  	[tilespmem:s28], [sflag:$0x1] =	stream.indirect.gather [hbm4b:s1+s23], $0x90, s23, s23, $0xb8;
	[tilespmem:$0x1FA00] =	vst v63  }
0x74: {  	_ =	swait.ge [sflag:s25], $0x4800  }
0x75: {  	[sflag:s25] =	ssyncset.done $0x0  }
0x76: {  	s7 =	sadd.s32 $0x20, s7;
	s2 =	sadd.s32 $0x20, s2;
	[sflag:s25] =	ssyncadd.s32 $0xFFFFB800  }
.LBB2_3:
0x77: {  	[spmem:s4] =	stream.indirect.scatter.add.f32 [tilespmem:s28], [sflag:$0x3], $0x90, s26, s23, $0xb8;
	[tilespmem:$0x1FA00] =	vst v63  }
0x78: {  	_ =	swait.ge [sflag:s29], $0x4800  }
0x79: {  	[sflag:s29] =	ssyncset.done $0x0  }
0x7a: {  	[sflag:s29] =	ssyncadd.s32 $0xFFFFB800  }
0x7b: {  	[tilespmem:s5], [sflag:$0x4] =	stream.linear.gather [hbm4b:s13+s5], $0x80, $0x38;
	[tilespmem:$0x1FA00] =	vst v63  }
0x7c: {  	_ =	swait.ge [sflag:s21], $0x80  }
0x7d: {  	[sflag:s21] =	ssyncset.done $0x0  }
0x7e: {  	[sflag:s21] =	ssyncadd.s32 $0xFFFFFF80  }
0x7f: {  	[tilespmem:s22], [sflag:$0x4] =	stream.linear.gather [hbm4b:s14+s5], $0x80, $0x38;
	[tilespmem:$0x1FA00] =	vst v63  }
0x80: {  	_ =	swait.ge [sflag:s21], $0x80  }
0x81: {  	[sflag:s21] =	ssyncset.done $0x0  }
0x82: {  	[sflag:s21] =	ssyncadd.s32 $0xFFFFFF80  }
0x83: {  	[tilespmem:s24], [sflag:$0x1] =	stream.indirect.gather [hbm4b:s1+s23], $0x90, s5, s23, $0xb8;
	[tilespmem:$0x1FA00] =	vst v63  }
0x84: {  	_ =	swait.ge [sflag:s25], $0x4800  }
0x85: {  	[sflag:s25] =	ssyncset.done $0x0  }
0x86: {  	[sflag:s25] =	ssyncadd.s32 $0xFFFFB800  }
0x87: {  	[spmem:s4] =	stream.indirect.scatter.add.f32 [tilespmem:s24], [sflag:$0x2], $0x90, s22, s23, $0xb8;
	[tilespmem:$0x1FA00] =	vst v63  }
0x88: {  	_ =	swait.ge [sflag:s29], $0x4800  }
0x89: {  	[sflag:s29] =	ssyncset.done $0x0  }
0x8a: {  	[sflag:s29] =	ssyncadd.s32 $0xFFFFB800  }
0x8b: {  	_ =	swait.ge [sflag:s30], $0x4800  }
0x8c: {  	s31 =	sadd.s32 $0x1, s31;
	[sflag:s30] =	ssyncset.done $0x0  }
0x8d: {  	p0 =	sne.s32 s31, s16;
	[sflag:s30] =	ssyncadd.s32 $0xFFFFB800  }
.Ltmp2:
0x8e: {  	[bflag:$0x0] =	sbarrier.arrive $0xFFFF;
	(pc) =	sbr.rel @p0 .LBB2_1-.Ltmp2, $4  }
0x8f: {  	[hbm:s15], [sflag:s8] =	dma.local [spmem:s20], $0x2D00  }
0x90: {  	_ =	swait.ge [sflag:s21], $0x2D00  }
0x91: {  	[sflag:s21] =	ssyncset.done $0x0  }
0x92: {  	[sflag:s21] =	ssyncadd.s32 $0xFFFFD300  }
0x93: {  	_ =	sfence.sel $0x180000  }
0x94: {  	[bflag:$0x0] =	sbarrier.arrive $0xFFFF  }
0x95: {  	_ =	strace $0x90000047  }
0x96: {  	s0 =	stileid.u32;
	[bflag:$0x2] =	sbarrier.arrive $0xFFFF  }
0x97: {  	p0 =	sne.s32 s0, $0x0;
	s0 =	rddreg [dreg:$0x3]  }
0x98: {  	s0 =	sadd.s32 @!p0 $0x100000, s0  }
0x99: {  	[sflag:s0] =	ssyncadd.tile.s32 @!p0 $0x1;
	_ =	shalt  }
.Lfunc_end2:
_tile_overlayer_lowered:
.L_overlay_start_2:
0x9a: {  	(tag) =	ssettag $0x2  }
0x9b: {  	s0 =	rddreg [dreg:$0x0];
	s2 =	stileid.u32  }
0x9c: {  	s1 =	rddreg [dreg:$0x1];
	p0 =	sne.s32 s2, $0x0  }
0x9d: {  	s3 =	rddreg [dreg:$0x2];
	[bflag:$0x3] =	sbarrier.arrive $0xFFFF;
	s2 =	simm.s32 @!p0 $0x1C04  }
0x9e: {  	[timem:s3], [sflag:s2] =	dma.local @!p0 [hbm:s0], s1  }
0x9f: {  	s0 =	simm.s32 @!p0 $0x4  }
0xa0: {  	_ =	swait.ge @!p0 [sflag:s0], s1  }
0xa1: {  	s1 =	ssub.s32 @!p0 $0x0, s1;
	[sflag:s0] =	ssyncset.done @!p0 $0x0  }
0xa2: {  	[sflag:s0] =	ssyncadd.s32 @!p0 s1  }
0xa3: {  	[bflag:$0x3] =	sbarrier.arrive $0xFFFF  }
0xa4: {  	_ =	shalt  }

</sc_bundles>
